<compile_context>
chip_gen: v7x
topology: tpu7x:2x2x1
jax: 0.10.2.dev20260603
libtpu: 0.0.44.dev20260713+nightly
codegen_flags: <defaults>
</compile_context>

<pallas_src>
import jax
import jax.numpy as jnp
from jax import lax
from jax.experimental import pallas as pl
from jax.experimental.pallas import tpu as pltpu
from jax.experimental.pallas import tpu_sc as plsc

B = 4096
D = 128
DIN = 900
PROJ = 100
BM = 2048
NCHUNK = 1
CB = B // NCHUNK

_NORM_MEAN = (234823.0, 42.0, 55.0, 1500000.0)
_NORM_ISTD = (5.0e9 ** -0.5, 625.0 ** -0.5, 400.0 ** -0.5, 9.0e12 ** -0.5)

_NW = 32
_BW = CB // _NW


def _sc_gather_body(t1, t2, t3, t4, t5, t6, t7,
                    i1, i2, i3, i4, i5, i6,
                    o1, o2, o3, o4, o5, o6, o7,
                    x1, x2, x3, x4, x5, x6,
                    r1, r2, r3, r4, r5, r6, r7, sem, sem_i, sem_o):
    wid = lax.axis_index("s") * 2 + lax.axis_index("c")
    base = wid * _BW
    idx_refs = (x1, x2, x3, x4, x5, x6)
    in_refs = (i1, i2, i3, i4, i5, i6)
    ih = [pltpu.async_copy(ir.at[pl.ds(base, _BW)], iv, sem_i)
          for ir, iv in zip(in_refs, idx_refs)]
    for h in ih:
        h.wait()
    tables = (t1, t2, t3, t4, t5, t6, t7)
    rows = (r1, r2, r3, r4, r5, r6, r7)
    gidx = (x1, x2, x3, x4, x5, x6, x6)
    handles = []
    for t, g, r in zip(tables, gidx, rows):
        handles.append(pltpu.async_copy(t.at[g], r, sem))
    outs = (o1, o2, o3, o4, o5, o6, o7)
    oh = []
    for h, r, o in zip(handles, rows, outs):
        h.wait()
        oh.append(pltpu.async_copy(r, o.at[pl.ds(base, _BW)], sem_o))
    for h in oh:
        h.wait()


def _sc_gather(tables, indices):
    mesh = plsc.VectorSubcoreMesh(core_axis_name="c", subcore_axis_name="s")
    f = pl.kernel(
        _sc_gather_body,
        out_type=[jax.ShapeDtypeStruct((CB, D), jnp.float32)
                  for _ in range(7)],
        mesh=mesh,
        scratch_types=(
            [pltpu.VMEM((_BW,), jnp.int32) for _ in range(6)]
            + [pltpu.VMEM((_BW, D), jnp.float32) for _ in range(7)]
            + [pltpu.SemaphoreType.DMA] * 3
        ),
    )
    return f(*tables, *indices)


def _tc_dense_body(e1, e2, e3, e4, e5, e6, e7, nums, mean, istd, v, u,
                   bc, w1, b1, w2, b2, w3, b3, out):
    f32 = jnp.float32
    n = (nums[...] - mean[...]) * istd[...]
    x = jnp.concatenate(
        [e1[...], e2[...], e3[...], e4[...], e5[...], e6[...], n, e7[...]],
        axis=1)
    t = jnp.dot(x, v[...], preferred_element_type=f32)
    c = jnp.dot(t, u[...], preferred_element_type=f32) + bc[...]
    cross = x * c + x
    h = jnp.maximum(
        jnp.dot(cross, w1[...], preferred_element_type=f32) + b1[...], 0.0)
    h = jnp.maximum(
        jnp.dot(h, w2[...], preferred_element_type=f32) + b2[...], 0.0)
    out[...] = (jnp.dot(h, w3[...], preferred_element_type=f32) + b3[...])


def kernel(artist_name_can, track_name_can, album_name_can, artist_uri_can,
           track_uri_can, album_uri_can, duration_ms_can, track_pop_can,
           artist_pop_can, artist_followers_can, emb_artist_name,
           emb_track_name, emb_album_name, emb_artist_uri, emb_track_uri,
           emb_album_uri, emb_artist_genres, V, U, bc, W1, b1, W2, b2, W3,
           b3):
    tables = (emb_artist_name, emb_track_name, emb_album_name,
              emb_artist_uri, emb_track_uri, emb_album_uri, emb_artist_genres)
    indices = (artist_name_can, track_name_can, album_name_can,
               artist_uri_can, track_uri_can, album_uri_can)

    es = _sc_gather(tables, indices)

    nums = jnp.stack(
        [duration_ms_can, track_pop_can, artist_pop_can, artist_followers_can],
        axis=1)
    mean = jnp.array([list(_NORM_MEAN)], dtype=jnp.float32)
    istd = jnp.array([list(_NORM_ISTD)], dtype=jnp.float32)
    nb = CB // BM
    grid = (nb,)
    row_block = lambda i: (i, 0)
    full = lambda i: (0, 0)
    out = pl.pallas_call(
        _tc_dense_body,
        grid=grid,
        in_specs=[
            *[pl.BlockSpec((BM, D), row_block) for _ in range(7)],
            pl.BlockSpec((BM, 4), row_block),
            pl.BlockSpec((1, 4), full),
            pl.BlockSpec((1, 4), full),
            pl.BlockSpec((DIN, PROJ), full),
            pl.BlockSpec((PROJ, DIN), full),
            pl.BlockSpec((1, DIN), full),
            pl.BlockSpec((DIN, 512), full),
            pl.BlockSpec((1, 512), full),
            pl.BlockSpec((512, 256), full),
            pl.BlockSpec((1, 256), full),
            pl.BlockSpec((256, D), full),
            pl.BlockSpec((1, D), full),
        ],
        out_specs=pl.BlockSpec((BM, D), row_block),
        out_shape=jax.ShapeDtypeStruct((CB, D), jnp.float32),
    )(*es, nums, mean, istd, V, U,
      bc.reshape(1, DIN), W1, b1.reshape(1, 512),
      W2, b2.reshape(1, 256), W3,
      b3.reshape(1, D))
    return out

# --- scband reference (transcript-rebuilt; emitter-appended) ---
"""Pipeline reference for scband-candidate-track-model-75007308858037 (READ-ONLY COPY).

The authoritative reference and input builder live on the scoring server;
editing this copy changes nothing except your own understanding.
"""

import jax, jax.numpy as jnp
import numpy as np

B = 4096
D = 128
NBINS = 200000
VTRACK = 100000
VALBUM = 100000
DIN = 7 * D + 4
PROJ = 100


def setup_inputs(seed: int = 0) -> dict:
    key = jax.random.key(seed)
    ks = jax.random.split(key, 32)
    inp = {}
    inp["artist_name_can"] = jax.random.randint(ks[0], (B,), 0, NBINS, dtype=jnp.int32)
    inp["track_name_can"] = jax.random.randint(ks[1], (B,), 0, NBINS, dtype=jnp.int32)
    inp["album_name_can"] = jax.random.randint(ks[2], (B,), 0, NBINS, dtype=jnp.int32)
    inp["artist_uri_can"] = jax.random.randint(ks[3], (B,), 0, NBINS, dtype=jnp.int32)
    inp["track_uri_can"] = jax.random.randint(ks[4], (B,), 0, VTRACK, dtype=jnp.int32)
    inp["album_uri_can"] = jax.random.randint(ks[5], (B,), 0, VALBUM, dtype=jnp.int32)
    inp["duration_ms_can"] = jax.random.uniform(ks[6], (B,), dtype=jnp.float32) * 300000.0
    inp["track_pop_can"] = jax.random.uniform(ks[7], (B,), dtype=jnp.float32) * 100.0
    inp["artist_pop_can"] = jax.random.uniform(ks[8], (B,), dtype=jnp.float32) * 100.0
    inp["artist_followers_can"] = jax.random.uniform(ks[9], (B,), dtype=jnp.float32) * 3.0e6
    inp["emb_artist_name"] = jax.random.normal(ks[10], (NBINS + 1, D), dtype=jnp.float32) * 0.05
    inp["emb_track_name"] = jax.random.normal(ks[11], (NBINS + 1, D), dtype=jnp.float32) * 0.05
    inp["emb_album_name"] = jax.random.normal(ks[12], (NBINS + 1, D), dtype=jnp.float32) * 0.05
    inp["emb_artist_uri"] = jax.random.normal(ks[13], (NBINS + 1, D), dtype=jnp.float32) * 0.05
    inp["emb_track_uri"] = jax.random.normal(ks[14], (VTRACK + 1, D), dtype=jnp.float32) * 0.05
    inp["emb_album_uri"] = jax.random.normal(ks[15], (VALBUM + 1, D), dtype=jnp.float32) * 0.05
    inp["emb_artist_genres"] = jax.random.normal(ks[16], (NBINS + 1, D), dtype=jnp.float32) * 0.05
    inp["V"] = jax.random.normal(ks[17], (DIN, PROJ), dtype=jnp.float32) * 0.02
    inp["U"] = jax.random.normal(ks[18], (PROJ, DIN), dtype=jnp.float32) * 0.02
    inp["bc"] = jnp.zeros((DIN,), dtype=jnp.float32)
    inp["W1"] = jax.random.normal(ks[19], (DIN, 512), dtype=jnp.float32) * 0.02
    inp["b1"] = jnp.zeros((512,), dtype=jnp.float32)
    inp["W2"] = jax.random.normal(ks[20], (512, 256), dtype=jnp.float32) * 0.02
    inp["b2"] = jnp.zeros((256,), dtype=jnp.float32)
    inp["W3"] = jax.random.normal(ks[21], (256, 128), dtype=jnp.float32) * 0.02
    inp["b3"] = jnp.zeros((128,), dtype=jnp.float32)
    return inp


def reference(artist_name_can, track_name_can, album_name_can, artist_uri_can, track_uri_can, album_uri_can, duration_ms_can, track_pop_can, artist_pop_can, artist_followers_can, emb_artist_name, emb_track_name, emb_album_name, emb_artist_uri, emb_track_uri, emb_album_uri, emb_artist_genres, V, U, bc, W1, b1, W2, b2, W3, b3):
    def _norm(x, m, v):
        return (x - m) / jnp.sqrt(v)
    e1 = jnp.take(emb_artist_name, artist_name_can, axis=0)
    e2 = jnp.take(emb_track_name, track_name_can, axis=0)
    e3 = jnp.take(emb_album_name, album_name_can, axis=0)
    e4 = jnp.take(emb_artist_uri, artist_uri_can, axis=0)
    e5 = jnp.take(emb_track_uri, track_uri_can, axis=0)
    e6 = jnp.take(emb_album_uri, album_uri_can, axis=0)
    # NOTE: original model passes data['album_uri_can'] to the artist_genres embedding (faithful reproduction)
    e7 = jnp.take(emb_artist_genres, album_uri_can, axis=0)
    n1 = _norm(duration_ms_can, 234823.0, 5.0e9).reshape(-1, 1)
    n2 = _norm(track_pop_can, 42.0, 625.0).reshape(-1, 1)
    n3 = _norm(artist_pop_can, 55.0, 400.0).reshape(-1, 1)
    n4 = _norm(artist_followers_can, 1500000.0, 9.0e12).reshape(-1, 1)
    x0 = jnp.concatenate([e1, e2, e3, e4, e5, e6, n1, n2, n3, n4, e7], axis=1)
    # low-rank DCN cross layer: x0 * (U(V x0) + b) + x0 (first cross call so x == x0)
    cross = x0 * (jnp.matmul(jnp.matmul(x0, V), U) + bc) + x0
    h = jax.nn.relu(jnp.matmul(cross, W1) + b1)
    h = jax.nn.relu(jnp.matmul(h, W2) + b2)
    out = jnp.matmul(h, W3) + b3
    return out

if __name__ == "__main__":
    import jax
    _d = setup_inputs()
    print(jax.jit(kernel)(*tuple(_d.values())))

</pallas_src>

<mosaic_0001>
#map = affine_map<(d0, d1) -> (0, 0)>
#map1 = affine_map<(d0, d1) -> (0)>
module attributes {stable_mosaic.version = 14 : i64} {
  func.func @_sc_gather_body(%arg0: i32, %arg1: i32, %arg2: memref<200001x128xf32, #tpu.memory_space<hbm>>, %arg3: memref<200001x128xf32, #tpu.memory_space<hbm>>, %arg4: memref<200001x128xf32, #tpu.memory_space<hbm>>, %arg5: memref<200001x128xf32, #tpu.memory_space<hbm>>, %arg6: memref<100001x128xf32, #tpu.memory_space<hbm>>, %arg7: memref<100001x128xf32, #tpu.memory_space<hbm>>, %arg8: memref<200001x128xf32, #tpu.memory_space<hbm>>, %arg9: memref<4096xi32, #tpu.memory_space<hbm>>, %arg10: memref<4096xi32, #tpu.memory_space<hbm>>, %arg11: memref<4096xi32, #tpu.memory_space<hbm>>, %arg12: memref<4096xi32, #tpu.memory_space<hbm>>, %arg13: memref<4096xi32, #tpu.memory_space<hbm>>, %arg14: memref<4096xi32, #tpu.memory_space<hbm>>, %arg15: memref<4096x128xf32, #tpu.memory_space<hbm>>, %arg16: memref<4096x128xf32, #tpu.memory_space<hbm>>, %arg17: memref<4096x128xf32, #tpu.memory_space<hbm>>, %arg18: memref<4096x128xf32, #tpu.memory_space<hbm>>, %arg19: memref<4096x128xf32, #tpu.memory_space<hbm>>, %arg20: memref<4096x128xf32, #tpu.memory_space<hbm>>, %arg21: memref<4096x128xf32, #tpu.memory_space<hbm>>, %arg22: memref<128xi32, #tpu.memory_space<vmem>>, %arg23: memref<128xi32, #tpu.memory_space<vmem>>, %arg24: memref<128xi32, #tpu.memory_space<vmem>>, %arg25: memref<128xi32, #tpu.memory_space<vmem>>, %arg26: memref<128xi32, #tpu.memory_space<vmem>>, %arg27: memref<128xi32, #tpu.memory_space<vmem>>, %arg28: memref<128x128xf32, #tpu.memory_space<vmem>>, %arg29: memref<128x128xf32, #tpu.memory_space<vmem>>, %arg30: memref<128x128xf32, #tpu.memory_space<vmem>>, %arg31: memref<128x128xf32, #tpu.memory_space<vmem>>, %arg32: memref<128x128xf32, #tpu.memory_space<vmem>>, %arg33: memref<128x128xf32, #tpu.memory_space<vmem>>, %arg34: memref<128x128xf32, #tpu.memory_space<vmem>>, %arg35: memref<!tpu.dma_semaphore, #tpu.memory_space<semaphore_mem>>, %arg36: memref<!tpu.dma_semaphore, #tpu.memory_space<semaphore_mem>>, %arg37: memref<!tpu.dma_semaphore, #tpu.memory_space<semaphore_mem>>) attributes {dimension_semantics = [#tpu.dimension_semantics<core_parallel>, #tpu.dimension_semantics<subcore_parallel>], iteration_bounds = array<i64: 2, 16>, scalar_prefetch = 0 : i64, scratch_operands = 16 : i64, tpu.core_type = #tpu.core_type<sc_vector_subcore>, window_params = [{transform_indices = #map}, {transform_indices = #map}, {transform_indices = #map}, {transform_indices = #map}, {transform_indices = #map}, {transform_indices = #map}, {transform_indices = #map}, {transform_indices = #map1}, {transform_indices = #map1}, {transform_indices = #map1}, {transform_indices = #map1}, {transform_indices = #map1}, {transform_indices = #map1}, {transform_indices = #map}, {transform_indices = #map}, {transform_indices = #map}, {transform_indices = #map}, {transform_indices = #map}, {transform_indices = #map}, {transform_indices = #map}]} {
    %mul3A = arith.constant 2 : i32
    %mul3A_0 = arith.muli %arg1, %mul3A : i32
    %add3A = arith.addi %mul3A_0, %arg0 : i32
    %mul3A_1 = arith.constant 128 : i32
    %mul3A_2 = arith.muli %add3A, %mul3A_1 : i32
    %dma_start3A = tpu.memref_slice %arg9[%mul3A_2] : memref<4096xi32, #tpu.memory_space<hbm>> -> memref<128xi32, #tpu.memory_space<hbm>>
    %dma_start3A_3 = tpu.memref_slice %arg9[%mul3A_2] : memref<4096xi32, #tpu.memory_space<hbm>> -> memref<128xi32, #tpu.memory_space<hbm>>
    tpu.enqueue_dma source(%dma_start3A_3 : memref<128xi32, #tpu.memory_space<hbm>>) target(%arg22 : memref<128xi32, #tpu.memory_space<vmem>>) target_semaphore(%arg36 : memref<!tpu.dma_semaphore, #tpu.memory_space<semaphore_mem>>)
    %dma_start3A_4 = tpu.memref_slice %arg10[%mul3A_2] : memref<4096xi32, #tpu.memory_space<hbm>> -> memref<128xi32, #tpu.memory_space<hbm>>
    %dma_start3A_5 = tpu.memref_slice %arg10[%mul3A_2] : memref<4096xi32, #tpu.memory_space<hbm>> -> memref<128xi32, #tpu.memory_space<hbm>>
    tpu.enqueue_dma source(%dma_start3A_5 : memref<128xi32, #tpu.memory_space<hbm>>) target(%arg23 : memref<128xi32, #tpu.memory_space<vmem>>) target_semaphore(%arg36 : memref<!tpu.dma_semaphore, #tpu.memory_space<semaphore_mem>>)
    %dma_start3A_6 = tpu.memref_slice %arg11[%mul3A_2] : memref<4096xi32, #tpu.memory_space<hbm>> -> memref<128xi32, #tpu.memory_space<hbm>>
    %dma_start3A_7 = tpu.memref_slice %arg11[%mul3A_2] : memref<4096xi32, #tpu.memory_space<hbm>> -> memref<128xi32, #tpu.memory_space<hbm>>
    tpu.enqueue_dma source(%dma_start3A_7 : memref<128xi32, #tpu.memory_space<hbm>>) target(%arg24 : memref<128xi32, #tpu.memory_space<vmem>>) target_semaphore(%arg36 : memref<!tpu.dma_semaphore, #tpu.memory_space<semaphore_mem>>)
    %dma_start3A_8 = tpu.memref_slice %arg12[%mul3A_2] : memref<4096xi32, #tpu.memory_space<hbm>> -> memref<128xi32, #tpu.memory_space<hbm>>
    %dma_start3A_9 = tpu.memref_slice %arg12[%mul3A_2] : memref<4096xi32, #tpu.memory_space<hbm>> -> memref<128xi32, #tpu.memory_space<hbm>>
    tpu.enqueue_dma source(%dma_start3A_9 : memref<128xi32, #tpu.memory_space<hbm>>) target(%arg25 : memref<128xi32, #tpu.memory_space<vmem>>) target_semaphore(%arg36 : memref<!tpu.dma_semaphore, #tpu.memory_space<semaphore_mem>>)
    %dma_start3A_10 = tpu.memref_slice %arg13[%mul3A_2] : memref<4096xi32, #tpu.memory_space<hbm>> -> memref<128xi32, #tpu.memory_space<hbm>>
    %dma_start3A_11 = tpu.memref_slice %arg13[%mul3A_2] : memref<4096xi32, #tpu.memory_space<hbm>> -> memref<128xi32, #tpu.memory_space<hbm>>
    tpu.enqueue_dma source(%dma_start3A_11 : memref<128xi32, #tpu.memory_space<hbm>>) target(%arg26 : memref<128xi32, #tpu.memory_space<vmem>>) target_semaphore(%arg36 : memref<!tpu.dma_semaphore, #tpu.memory_space<semaphore_mem>>)
    %dma_start3A_12 = tpu.memref_slice %arg14[%mul3A_2] : memref<4096xi32, #tpu.memory_space<hbm>> -> memref<128xi32, #tpu.memory_space<hbm>>
    %dma_start3A_13 = tpu.memref_slice %arg14[%mul3A_2] : memref<4096xi32, #tpu.memory_space<hbm>> -> memref<128xi32, #tpu.memory_space<hbm>>
    tpu.enqueue_dma source(%dma_start3A_13 : memref<128xi32, #tpu.memory_space<hbm>>) target(%arg27 : memref<128xi32, #tpu.memory_space<vmem>>) target_semaphore(%arg36 : memref<!tpu.dma_semaphore, #tpu.memory_space<semaphore_mem>>)
    %dma_wait3A = tpu.memref_slice %arg9[%mul3A_2] : memref<4096xi32, #tpu.memory_space<hbm>> -> memref<128xi32, #tpu.memory_space<hbm>>
    %dma_wait3A_14 = tpu.memref_slice %arg9[%mul3A_2] : memref<4096xi32, #tpu.memory_space<hbm>> -> memref<128xi32, #tpu.memory_space<hbm>>
    tpu.wait_dma2 semaphore(%arg36 : memref<!tpu.dma_semaphore, #tpu.memory_space<semaphore_mem>>) src(%dma_wait3A_14 : memref<128xi32, #tpu.memory_space<hbm>>) dst(%arg22 : memref<128xi32, #tpu.memory_space<vmem>>)
    %dma_wait3A_15 = tpu.memref_slice %arg10[%mul3A_2] : memref<4096xi32, #tpu.memory_space<hbm>> -> memref<128xi32, #tpu.memory_space<hbm>>
    %dma_wait3A_16 = tpu.memref_slice %arg10[%mul3A_2] : memref<4096xi32, #tpu.memory_space<hbm>> -> memref<128xi32, #tpu.memory_space<hbm>>
    tpu.wait_dma2 semaphore(%arg36 : memref<!tpu.dma_semaphore, #tpu.memory_space<semaphore_mem>>) src(%dma_wait3A_16 : memref<128xi32, #tpu.memory_space<hbm>>) dst(%arg23 : memref<128xi32, #tpu.memory_space<vmem>>)
    %dma_wait3A_17 = tpu.memref_slice %arg11[%mul3A_2] : memref<4096xi32, #tpu.memory_space<hbm>> -> memref<128xi32, #tpu.memory_space<hbm>>
    %dma_wait3A_18 = tpu.memref_slice %arg11[%mul3A_2] : memref<4096xi32, #tpu.memory_space<hbm>> -> memref<128xi32, #tpu.memory_space<hbm>>
    tpu.wait_dma2 semaphore(%arg36 : memref<!tpu.dma_semaphore, #tpu.memory_space<semaphore_mem>>) src(%dma_wait3A_18 : memref<128xi32, #tpu.memory_space<hbm>>) dst(%arg24 : memref<128xi32, #tpu.memory_space<vmem>>)
    %dma_wait3A_19 = tpu.memref_slice %arg12[%mul3A_2] : memref<4096xi32, #tpu.memory_space<hbm>> -> memref<128xi32, #tpu.memory_space<hbm>>
    %dma_wait3A_20 = tpu.memref_slice %arg12[%mul3A_2] : memref<4096xi32, #tpu.memory_space<hbm>> -> memref<128xi32, #tpu.memory_space<hbm>>
    tpu.wait_dma2 semaphore(%arg36 : memref<!tpu.dma_semaphore, #tpu.memory_space<semaphore_mem>>) src(%dma_wait3A_20 : memref<128xi32, #tpu.memory_space<hbm>>) dst(%arg25 : memref<128xi32, #tpu.memory_space<vmem>>)
    %dma_wait3A_21 = tpu.memref_slice %arg13[%mul3A_2] : memref<4096xi32, #tpu.memory_space<hbm>> -> memref<128xi32, #tpu.memory_space<hbm>>
    %dma_wait3A_22 = tpu.memref_slice %arg13[%mul3A_2] : memref<4096xi32, #tpu.memory_space<hbm>> -> memref<128xi32, #tpu.memory_space<hbm>>
    tpu.wait_dma2 semaphore(%arg36 : memref<!tpu.dma_semaphore, #tpu.memory_space<semaphore_mem>>) src(%dma_wait3A_22 : memref<128xi32, #tpu.memory_space<hbm>>) dst(%arg26 : memref<128xi32, #tpu.memory_space<vmem>>)
    %dma_wait3A_23 = tpu.memref_slice %arg14[%mul3A_2] : memref<4096xi32, #tpu.memory_space<hbm>> -> memref<128xi32, #tpu.memory_space<hbm>>
    %dma_wait3A_24 = tpu.memref_slice %arg14[%mul3A_2] : memref<4096xi32, #tpu.memory_space<hbm>> -> memref<128xi32, #tpu.memory_space<hbm>>
    tpu.wait_dma2 semaphore(%arg36 : memref<!tpu.dma_semaphore, #tpu.memory_space<semaphore_mem>>) src(%dma_wait3A_24 : memref<128xi32, #tpu.memory_space<hbm>>) dst(%arg27 : memref<128xi32, #tpu.memory_space<vmem>>)
    %dma_start3A_25 = arith.constant 0 : i32
    %dma_start3A_26 = arith.constant 0 : i32
    %dma_start3A_27 = tpu.memref_slice %arg2[%dma_start3A_25, %dma_start3A_26] : memref<200001x128xf32, #tpu.memory_space<hbm>> -> memref<200001x128xf32, #tpu.memory_space<hbm>>
    tpu.enqueue_indirect_dma source(%dma_start3A_27 : memref<200001x128xf32, #tpu.memory_space<hbm>>) target(%arg28 : memref<128x128xf32, #tpu.memory_space<vmem>>) offsets(%arg22 : memref<128xi32, #tpu.memory_space<vmem>>) semaphore(%arg35 : memref<!tpu.dma_semaphore, #tpu.memory_space<semaphore_mem>>)
    %dma_start3A_28 = arith.constant 0 : i32
    %dma_start3A_29 = arith.constant 0 : i32
    %dma_start3A_30 = tpu.memref_slice %arg3[%dma_start3A_28, %dma_start3A_29] : memref<200001x128xf32, #tpu.memory_space<hbm>> -> memref<200001x128xf32, #tpu.memory_space<hbm>>
    tpu.enqueue_indirect_dma source(%dma_start3A_30 : memref<200001x128xf32, #tpu.memory_space<hbm>>) target(%arg29 : memref<128x128xf32, #tpu.memory_space<vmem>>) offsets(%arg23 : memref<128xi32, #tpu.memory_space<vmem>>) semaphore(%arg35 : memref<!tpu.dma_semaphore, #tpu.memory_space<semaphore_mem>>)
    %dma_start3A_31 = arith.constant 0 : i32
    %dma_start3A_32 = arith.constant 0 : i32
    %dma_start3A_33 = tpu.memref_slice %arg4[%dma_start3A_31, %dma_start3A_32] : memref<200001x128xf32, #tpu.memory_space<hbm>> -> memref<200001x128xf32, #tpu.memory_space<hbm>>
    tpu.enqueue_indirect_dma source(%dma_start3A_33 : memref<200001x128xf32, #tpu.memory_space<hbm>>) target(%arg30 : memref<128x128xf32, #tpu.memory_space<vmem>>) offsets(%arg24 : memref<128xi32, #tpu.memory_space<vmem>>) semaphore(%arg35 : memref<!tpu.dma_semaphore, #tpu.memory_space<semaphore_mem>>)
    %dma_start3A_34 = arith.constant 0 : i32
    %dma_start3A_35 = arith.constant 0 : i32
    %dma_start3A_36 = tpu.memref_slice %arg5[%dma_start3A_34, %dma_start3A_35] : memref<200001x128xf32, #tpu.memory_space<hbm>> -> memref<200001x128xf32, #tpu.memory_space<hbm>>
    tpu.enqueue_indirect_dma source(%dma_start3A_36 : memref<200001x128xf32, #tpu.memory_space<hbm>>) target(%arg31 : memref<128x128xf32, #tpu.memory_space<vmem>>) offsets(%arg25 : memref<128xi32, #tpu.memory_space<vmem>>) semaphore(%arg35 : memref<!tpu.dma_semaphore, #tpu.memory_space<semaphore_mem>>)
    %dma_start3A_37 = arith.constant 0 : i32
    %dma_start3A_38 = arith.constant 0 : i32
    %dma_start3A_39 = tpu.memref_slice %arg6[%dma_start3A_37, %dma_start3A_38] : memref<100001x128xf32, #tpu.memory_space<hbm>> -> memref<100001x128xf32, #tpu.memory_space<hbm>>
    tpu.enqueue_indirect_dma source(%dma_start3A_39 : memref<100001x128xf32, #tpu.memory_space<hbm>>) target(%arg32 : memref<128x128xf32, #tpu.memory_space<vmem>>) offsets(%arg26 : memref<128xi32, #tpu.memory_space<vmem>>) semaphore(%arg35 : memref<!tpu.dma_semaphore, #tpu.memory_space<semaphore_mem>>)
    %dma_start3A_40 = arith.constant 0 : i32
    %dma_start3A_41 = arith.constant 0 : i32
    %dma_start3A_42 = tpu.memref_slice %arg7[%dma_start3A_40, %dma_start3A_41] : memref<100001x128xf32, #tpu.memory_space<hbm>> -> memref<100001x128xf32, #tpu.memory_space<hbm>>
    tpu.enqueue_indirect_dma source(%dma_start3A_42 : memref<100001x128xf32, #tpu.memory_space<hbm>>) target(%arg33 : memref<128x128xf32, #tpu.memory_space<vmem>>) offsets(%arg27 : memref<128xi32, #tpu.memory_space<vmem>>) semaphore(%arg35 : memref<!tpu.dma_semaphore, #tpu.memory_space<semaphore_mem>>)
    %dma_start3A_43 = arith.constant 0 : i32
    %dma_start3A_44 = arith.constant 0 : i32
    %dma_start3A_45 = tpu.memref_slice %arg8[%dma_start3A_43, %dma_start3A_44] : memref<200001x128xf32, #tpu.memory_space<hbm>> -> memref<200001x128xf32, #tpu.memory_space<hbm>>
    tpu.enqueue_indirect_dma source(%dma_start3A_45 : memref<200001x128xf32, #tpu.memory_space<hbm>>) target(%arg34 : memref<128x128xf32, #tpu.memory_space<vmem>>) offsets(%arg27 : memref<128xi32, #tpu.memory_space<vmem>>) semaphore(%arg35 : memref<!tpu.dma_semaphore, #tpu.memory_space<semaphore_mem>>)
    %dma_wait3A_46 = arith.constant 0 : i32
    %dma_wait3A_47 = arith.constant 0 : i32
    %dma_wait3A_48 = tpu.memref_slice %arg2[%dma_wait3A_46, %dma_wait3A_47] : memref<200001x128xf32, #tpu.memory_space<hbm>> -> memref<200001x128xf32, #tpu.memory_space<hbm>>
    tpu.wait_indirect_dma semaphore(%arg35 : memref<!tpu.dma_semaphore, #tpu.memory_space<semaphore_mem>>) src(%dma_wait3A_48 : memref<200001x128xf32, #tpu.memory_space<hbm>>) dst(%arg28 : memref<128x128xf32, #tpu.memory_space<vmem>>)
    %dma_start3A_49 = arith.constant 0 : i32
    %dma_start3A_50 = tpu.memref_slice %arg15[%mul3A_2, %dma_start3A_49] : memref<4096x128xf32, #tpu.memory_space<hbm>> -> memref<128x128xf32, #tpu.memory_space<hbm>>
    %dma_start3A_51 = arith.constant 0 : i32
    %dma_start3A_52 = tpu.memref_slice %arg15[%mul3A_2, %dma_start3A_51] : memref<4096x128xf32, #tpu.memory_space<hbm>> -> memref<128x128xf32, #tpu.memory_space<hbm>>
    tpu.enqueue_dma source(%arg28 : memref<128x128xf32, #tpu.memory_space<vmem>>) target(%dma_start3A_52 : memref<128x128xf32, #tpu.memory_space<hbm>>) target_semaphore(%arg37 : memref<!tpu.dma_semaphore, #tpu.memory_space<semaphore_mem>>)
    %dma_wait3A_53 = arith.constant 0 : i32
    %dma_wait3A_54 = arith.constant 0 : i32
    %dma_wait3A_55 = tpu.memref_slice %arg3[%dma_wait3A_53, %dma_wait3A_54] : memref<200001x128xf32, #tpu.memory_space<hbm>> -> memref<200001x128xf32, #tpu.memory_space<hbm>>
    tpu.wait_indirect_dma semaphore(%arg35 : memref<!tpu.dma_semaphore, #tpu.memory_space<semaphore_mem>>) src(%dma_wait3A_55 : memref<200001x128xf32, #tpu.memory_space<hbm>>) dst(%arg29 : memref<128x128xf32, #tpu.memory_space<vmem>>)
    %dma_start3A_56 = arith.constant 0 : i32
    %dma_start3A_57 = tpu.memref_slice %arg16[%mul3A_2, %dma_start3A_56] : memref<4096x128xf32, #tpu.memory_space<hbm>> -> memref<128x128xf32, #tpu.memory_space<hbm>>
    %dma_start3A_58 = arith.constant 0 : i32
    %dma_start3A_59 = tpu.memref_slice %arg16[%mul3A_2, %dma_start3A_58] : memref<4096x128xf32, #tpu.memory_space<hbm>> -> memref<128x128xf32, #tpu.memory_space<hbm>>
    tpu.enqueue_dma source(%arg29 : memref<128x128xf32, #tpu.memory_space<vmem>>) target(%dma_start3A_59 : memref<128x128xf32, #tpu.memory_space<hbm>>) target_semaphore(%arg37 : memref<!tpu.dma_semaphore, #tpu.memory_space<semaphore_mem>>)
    %dma_wait3A_60 = arith.constant 0 : i32
    %dma_wait3A_61 = arith.constant 0 : i32
    %dma_wait3A_62 = tpu.memref_slice %arg4[%dma_wait3A_60, %dma_wait3A_61] : memref<200001x128xf32, #tpu.memory_space<hbm>> -> memref<200001x128xf32, #tpu.memory_space<hbm>>
    tpu.wait_indirect_dma semaphore(%arg35 : memref<!tpu.dma_semaphore, #tpu.memory_space<semaphore_mem>>) src(%dma_wait3A_62 : memref<200001x128xf32, #tpu.memory_space<hbm>>) dst(%arg30 : memref<128x128xf32, #tpu.memory_space<vmem>>)
    %dma_start3A_63 = arith.constant 0 : i32
    %dma_start3A_64 = tpu.memref_slice %arg17[%mul3A_2, %dma_start3A_63] : memref<4096x128xf32, #tpu.memory_space<hbm>> -> memref<128x128xf32, #tpu.memory_space<hbm>>
    %dma_start3A_65 = arith.constant 0 : i32
    %dma_start3A_66 = tpu.memref_slice %arg17[%mul3A_2, %dma_start3A_65] : memref<4096x128xf32, #tpu.memory_space<hbm>> -> memref<128x128xf32, #tpu.memory_space<hbm>>
    tpu.enqueue_dma source(%arg30 : memref<128x128xf32, #tpu.memory_space<vmem>>) target(%dma_start3A_66 : memref<128x128xf32, #tpu.memory_space<hbm>>) target_semaphore(%arg37 : memref<!tpu.dma_semaphore, #tpu.memory_space<semaphore_mem>>)
    %dma_wait3A_67 = arith.constant 0 : i32
    %dma_wait3A_68 = arith.constant 0 : i32
    %dma_wait3A_69 = tpu.memref_slice %arg5[%dma_wait3A_67, %dma_wait3A_68] : memref<200001x128xf32, #tpu.memory_space<hbm>> -> memref<200001x128xf32, #tpu.memory_space<hbm>>
    tpu.wait_indirect_dma semaphore(%arg35 : memref<!tpu.dma_semaphore, #tpu.memory_space<semaphore_mem>>) src(%dma_wait3A_69 : memref<200001x128xf32, #tpu.memory_space<hbm>>) dst(%arg31 : memref<128x128xf32, #tpu.memory_space<vmem>>)
    %dma_start3A_70 = arith.constant 0 : i32
    %dma_start3A_71 = tpu.memref_slice %arg18[%mul3A_2, %dma_start3A_70] : memref<4096x128xf32, #tpu.memory_space<hbm>> -> memref<128x128xf32, #tpu.memory_space<hbm>>
    %dma_start3A_72 = arith.constant 0 : i32
    %dma_start3A_73 = tpu.memref_slice %arg18[%mul3A_2, %dma_start3A_72] : memref<4096x128xf32, #tpu.memory_space<hbm>> -> memref<128x128xf32, #tpu.memory_space<hbm>>
    tpu.enqueue_dma source(%arg31 : memref<128x128xf32, #tpu.memory_space<vmem>>) target(%dma_start3A_73 : memref<128x128xf32, #tpu.memory_space<hbm>>) target_semaphore(%arg37 : memref<!tpu.dma_semaphore, #tpu.memory_space<semaphore_mem>>)
    %dma_wait3A_74 = arith.constant 0 : i32
    %dma_wait3A_75 = arith.constant 0 : i32
    %dma_wait3A_76 = tpu.memref_slice %arg6[%dma_wait3A_74, %dma_wait3A_75] : memref<100001x128xf32, #tpu.memory_space<hbm>> -> memref<100001x128xf32, #tpu.memory_space<hbm>>
    tpu.wait_indirect_dma semaphore(%arg35 : memref<!tpu.dma_semaphore, #tpu.memory_space<semaphore_mem>>) src(%dma_wait3A_76 : memref<100001x128xf32, #tpu.memory_space<hbm>>) dst(%arg32 : memref<128x128xf32, #tpu.memory_space<vmem>>)
    %dma_start3A_77 = arith.constant 0 : i32
    %dma_start3A_78 = tpu.memref_slice %arg19[%mul3A_2, %dma_start3A_77] : memref<4096x128xf32, #tpu.memory_space<hbm>> -> memref<128x128xf32, #tpu.memory_space<hbm>>
    %dma_start3A_79 = arith.constant 0 : i32
    %dma_start3A_80 = tpu.memref_slice %arg19[%mul3A_2, %dma_start3A_79] : memref<4096x128xf32, #tpu.memory_space<hbm>> -> memref<128x128xf32, #tpu.memory_space<hbm>>
    tpu.enqueue_dma source(%arg32 : memref<128x128xf32, #tpu.memory_space<vmem>>) target(%dma_start3A_80 : memref<128x128xf32, #tpu.memory_space<hbm>>) target_semaphore(%arg37 : memref<!tpu.dma_semaphore, #tpu.memory_space<semaphore_mem>>)
    %dma_wait3A_81 = arith.constant 0 : i32
    %dma_wait3A_82 = arith.constant 0 : i32
    %dma_wait3A_83 = tpu.memref_slice %arg7[%dma_wait3A_81, %dma_wait3A_82] : memref<100001x128xf32, #tpu.memory_space<hbm>> -> memref<100001x128xf32, #tpu.memory_space<hbm>>
    tpu.wait_indirect_dma semaphore(%arg35 : memref<!tpu.dma_semaphore, #tpu.memory_space<semaphore_mem>>) src(%dma_wait3A_83 : memref<100001x128xf32, #tpu.memory_space<hbm>>) dst(%arg33 : memref<128x128xf32, #tpu.memory_space<vmem>>)
    %dma_start3A_84 = arith.constant 0 : i32
    %dma_start3A_85 = tpu.memref_slice %arg20[%mul3A_2, %dma_start3A_84] : memref<4096x128xf32, #tpu.memory_space<hbm>> -> memref<128x128xf32, #tpu.memory_space<hbm>>
    %dma_start3A_86 = arith.constant 0 : i32
    %dma_start3A_87 = tpu.memref_slice %arg20[%mul3A_2, %dma_start3A_86] : memref<4096x128xf32, #tpu.memory_space<hbm>> -> memref<128x128xf32, #tpu.memory_space<hbm>>
    tpu.enqueue_dma source(%arg33 : memref<128x128xf32, #tpu.memory_space<vmem>>) target(%dma_start3A_87 : memref<128x128xf32, #tpu.memory_space<hbm>>) target_semaphore(%arg37 : memref<!tpu.dma_semaphore, #tpu.memory_space<semaphore_mem>>)
    %dma_wait3A_88 = arith.constant 0 : i32
    %dma_wait3A_89 = arith.constant 0 : i32
    %dma_wait3A_90 = tpu.memref_slice %arg8[%dma_wait3A_88, %dma_wait3A_89] : memref<200001x128xf32, #tpu.memory_space<hbm>> -> memref<200001x128xf32, #tpu.memory_space<hbm>>
    tpu.wait_indirect_dma semaphore(%arg35 : memref<!tpu.dma_semaphore, #tpu.memory_space<semaphore_mem>>) src(%dma_wait3A_90 : memref<200001x128xf32, #tpu.memory_space<hbm>>) dst(%arg34 : memref<128x128xf32, #tpu.memory_space<vmem>>)
    %dma_start3A_91 = arith.constant 0 : i32
    %dma_start3A_92 = tpu.memref_slice %arg21[%mul3A_2, %dma_start3A_91] : memref<4096x128xf32, #tpu.memory_space<hbm>> -> memref<128x128xf32, #tpu.memory_space<hbm>>
    %dma_start3A_93 = arith.constant 0 : i32
    %dma_start3A_94 = tpu.memref_slice %arg21[%mul3A_2, %dma_start3A_93] : memref<4096x128xf32, #tpu.memory_space<hbm>> -> memref<128x128xf32, #tpu.memory_space<hbm>>
    tpu.enqueue_dma source(%arg34 : memref<128x128xf32, #tpu.memory_space<vmem>>) target(%dma_start3A_94 : memref<128x128xf32, #tpu.memory_space<hbm>>) target_semaphore(%arg37 : memref<!tpu.dma_semaphore, #tpu.memory_space<semaphore_mem>>)
    %dma_wait3A_95 = arith.constant 0 : i32
    %dma_wait3A_96 = tpu.memref_slice %arg15[%mul3A_2, %dma_wait3A_95] : memref<4096x128xf32, #tpu.memory_space<hbm>> -> memref<128x128xf32, #tpu.memory_space<hbm>>
    %dma_wait3A_97 = arith.constant 0 : i32
    %dma_wait3A_98 = tpu.memref_slice %arg15[%mul3A_2, %dma_wait3A_97] : memref<4096x128xf32, #tpu.memory_space<hbm>> -> memref<128x128xf32, #tpu.memory_space<hbm>>
    tpu.wait_dma2 semaphore(%arg37 : memref<!tpu.dma_semaphore, #tpu.memory_space<semaphore_mem>>) src(%arg28 : memref<128x128xf32, #tpu.memory_space<vmem>>) dst(%dma_wait3A_98 : memref<128x128xf32, #tpu.memory_space<hbm>>)
    %dma_wait3A_99 = arith.constant 0 : i32
    %dma_wait3A_100 = tpu.memref_slice %arg16[%mul3A_2, %dma_wait3A_99] : memref<4096x128xf32, #tpu.memory_space<hbm>> -> memref<128x128xf32, #tpu.memory_space<hbm>>
    %dma_wait3A_101 = arith.constant 0 : i32
    %dma_wait3A_102 = tpu.memref_slice %arg16[%mul3A_2, %dma_wait3A_101] : memref<4096x128xf32, #tpu.memory_space<hbm>> -> memref<128x128xf32, #tpu.memory_space<hbm>>
    tpu.wait_dma2 semaphore(%arg37 : memref<!tpu.dma_semaphore, #tpu.memory_space<semaphore_mem>>) src(%arg29 : memref<128x128xf32, #tpu.memory_space<vmem>>) dst(%dma_wait3A_102 : memref<128x128xf32, #tpu.memory_space<hbm>>)
    %dma_wait3A_103 = arith.constant 0 : i32
    %dma_wait3A_104 = tpu.memref_slice %arg17[%mul3A_2, %dma_wait3A_103] : memref<4096x128xf32, #tpu.memory_space<hbm>> -> memref<128x128xf32, #tpu.memory_space<hbm>>
    %dma_wait3A_105 = arith.constant 0 : i32
    %dma_wait3A_106 = tpu.memref_slice %arg17[%mul3A_2, %dma_wait3A_105] : memref<4096x128xf32, #tpu.memory_space<hbm>> -> memref<128x128xf32, #tpu.memory_space<hbm>>
    tpu.wait_dma2 semaphore(%arg37 : memref<!tpu.dma_semaphore, #tpu.memory_space<semaphore_mem>>) src(%arg30 : memref<128x128xf32, #tpu.memory_space<vmem>>) dst(%dma_wait3A_106 : memref<128x128xf32, #tpu.memory_space<hbm>>)
    %dma_wait3A_107 = arith.constant 0 : i32
    %dma_wait3A_108 = tpu.memref_slice %arg18[%mul3A_2, %dma_wait3A_107] : memref<4096x128xf32, #tpu.memory_space<hbm>> -> memref<128x128xf32, #tpu.memory_space<hbm>>
    %dma_wait3A_109 = arith.constant 0 : i32
    %dma_wait3A_110 = tpu.memref_slice %arg18[%mul3A_2, %dma_wait3A_109] : memref<4096x128xf32, #tpu.memory_space<hbm>> -> memref<128x128xf32, #tpu.memory_space<hbm>>
    tpu.wait_dma2 semaphore(%arg37 : memref<!tpu.dma_semaphore, #tpu.memory_space<semaphore_mem>>) src(%arg31 : memref<128x128xf32, #tpu.memory_space<vmem>>) dst(%dma_wait3A_110 : memref<128x128xf32, #tpu.memory_space<hbm>>)
    %dma_wait3A_111 = arith.constant 0 : i32
    %dma_wait3A_112 = tpu.memref_slice %arg19[%mul3A_2, %dma_wait3A_111] : memref<4096x128xf32, #tpu.memory_space<hbm>> -> memref<128x128xf32, #tpu.memory_space<hbm>>
    %dma_wait3A_113 = arith.constant 0 : i32
    %dma_wait3A_114 = tpu.memref_slice %arg19[%mul3A_2, %dma_wait3A_113] : memref<4096x128xf32, #tpu.memory_space<hbm>> -> memref<128x128xf32, #tpu.memory_space<hbm>>
    tpu.wait_dma2 semaphore(%arg37 : memref<!tpu.dma_semaphore, #tpu.memory_space<semaphore_mem>>) src(%arg32 : memref<128x128xf32, #tpu.memory_space<vmem>>) dst(%dma_wait3A_114 : memref<128x128xf32, #tpu.memory_space<hbm>>)
    %dma_wait3A_115 = arith.constant 0 : i32
    %dma_wait3A_116 = tpu.memref_slice %arg20[%mul3A_2, %dma_wait3A_115] : memref<4096x128xf32, #tpu.memory_space<hbm>> -> memref<128x128xf32, #tpu.memory_space<hbm>>
    %dma_wait3A_117 = arith.constant 0 : i32
    %dma_wait3A_118 = tpu.memref_slice %arg20[%mul3A_2, %dma_wait3A_117] : memref<4096x128xf32, #tpu.memory_space<hbm>> -> memref<128x128xf32, #tpu.memory_space<hbm>>
    tpu.wait_dma2 semaphore(%arg37 : memref<!tpu.dma_semaphore, #tpu.memory_space<semaphore_mem>>) src(%arg33 : memref<128x128xf32, #tpu.memory_space<vmem>>) dst(%dma_wait3A_118 : memref<128x128xf32, #tpu.memory_space<hbm>>)
    %dma_wait3A_119 = arith.constant 0 : i32
    %dma_wait3A_120 = tpu.memref_slice %arg21[%mul3A_2, %dma_wait3A_119] : memref<4096x128xf32, #tpu.memory_space<hbm>> -> memref<128x128xf32, #tpu.memory_space<hbm>>
    %dma_wait3A_121 = arith.constant 0 : i32
    %dma_wait3A_122 = tpu.memref_slice %arg21[%mul3A_2, %dma_wait3A_121] : memref<4096x128xf32, #tpu.memory_space<hbm>> -> memref<128x128xf32, #tpu.memory_space<hbm>>
    tpu.wait_dma2 semaphore(%arg37 : memref<!tpu.dma_semaphore, #tpu.memory_space<semaphore_mem>>) src(%arg34 : memref<128x128xf32, #tpu.memory_space<vmem>>) dst(%dma_wait3A_122 : memref<128x128xf32, #tpu.memory_space<hbm>>)
    return
  }
}

module attributes {stable_mosaic.version = 14 : i64} {
  func.func @_tc_dense_body(%arg0: i32, %arg1: memref<2048x128xf32, #tpu.memory_space<vmem>>, %arg2: memref<2048x128xf32, #tpu.memory_space<vmem>>, %arg3: memref<2048x128xf32, #tpu.memory_space<vmem>>, %arg4: memref<2048x128xf32, #tpu.memory_space<vmem>>, %arg5: memref<2048x128xf32, #tpu.memory_space<vmem>>, %arg6: memref<2048x128xf32, #tpu.memory_space<vmem>>, %arg7: memref<2048x128xf32, #tpu.memory_space<vmem>>, %arg8: memref<2048x4xf32, #tpu.memory_space<vmem>>, %arg9: memref<1x4xf32, #tpu.memory_space<vmem>>, %arg10: memref<1x4xf32, #tpu.memory_space<vmem>>, %arg11: memref<900x100xf32, #tpu.memory_space<vmem>>, %arg12: memref<100x900xf32, #tpu.memory_space<vmem>>, %arg13: memref<1x900xf32, #tpu.memory_space<vmem>>, %arg14: memref<900x512xf32, #tpu.memory_space<vmem>>, %arg15: memref<1x512xf32, #tpu.memory_space<vmem>>, %arg16: memref<512x256xf32, #tpu.memory_space<vmem>>, %arg17: memref<1x256xf32, #tpu.memory_space<vmem>>, %arg18: memref<256x128xf32, #tpu.memory_space<vmem>>, %arg19: memref<1x128xf32, #tpu.memory_space<vmem>>, %arg20: memref<2048x128xf32, #tpu.memory_space<vmem>>) attributes {dimension_semantics = [#tpu.dimension_semantics<arbitrary>], iteration_bounds = array<i64: 2>, scalar_prefetch = 0 : i64, scratch_operands = 0 : i64, tpu.core_type = #tpu.core_type<tc>, window_params = [{transform_indices = @transform_0, window_bounds = array<i64: 2048, 128>}, {transform_indices = @transform_1, window_bounds = array<i64: 2048, 128>}, {transform_indices = @transform_2, window_bounds = array<i64: 2048, 128>}, {transform_indices = @transform_3, window_bounds = array<i64: 2048, 128>}, {transform_indices = @transform_4, window_bounds = array<i64: 2048, 128>}, {transform_indices = @transform_5, window_bounds = array<i64: 2048, 128>}, {transform_indices = @transform_6, window_bounds = array<i64: 2048, 128>}, {transform_indices = @transform_7, window_bounds = array<i64: 2048, 4>}, {pipeline_mode = #tpu.pipeline_mode<synchronous>, transform_indices = @transform_8, window_bounds = array<i64: 1, 4>}, {pipeline_mode = #tpu.pipeline_mode<synchronous>, transform_indices = @transform_9, window_bounds = array<i64: 1, 4>}, {pipeline_mode = #tpu.pipeline_mode<synchronous>, transform_indices = @transform_10, window_bounds = array<i64: 900, 100>}, {pipeline_mode = #tpu.pipeline_mode<synchronous>, transform_indices = @transform_11, window_bounds = array<i64: 100, 900>}, {pipeline_mode = #tpu.pipeline_mode<synchronous>, transform_indices = @transform_12, window_bounds = array<i64: 1, 900>}, {pipeline_mode = #tpu.pipeline_mode<synchronous>, transform_indices = @transform_13, window_bounds = array<i64: 900, 512>}, {pipeline_mode = #tpu.pipeline_mode<synchronous>, transform_indices = @transform_14, window_bounds = array<i64: 1, 512>}, {pipeline_mode = #tpu.pipeline_mode<synchronous>, transform_indices = @transform_15, window_bounds = array<i64: 512, 256>}, {pipeline_mode = #tpu.pipeline_mode<synchronous>, transform_indices = @transform_16, window_bounds = array<i64: 1, 256>}, {pipeline_mode = #tpu.pipeline_mode<synchronous>, transform_indices = @transform_17, window_bounds = array<i64: 256, 128>}, {pipeline_mode = #tpu.pipeline_mode<synchronous>, transform_indices = @transform_18, window_bounds = array<i64: 1, 128>}, {transform_indices = @transform_19, window_bounds = array<i64: 2048, 128>}]} {
    %get3A = arith.constant 0 : index
    %get3A_0 = arith.constant 0 : index
    %get3A_1 = vector.load %arg8[%get3A, %get3A_0] : memref<2048x4xf32, #tpu.memory_space<vmem>>, vector<2048x4xf32>
    %get3A_2 = arith.constant 0 : index
    %get3A_3 = arith.constant 0 : index
    %get3A_4 = vector.load %arg9[%get3A_2, %get3A_3] : memref<1x4xf32, #tpu.memory_space<vmem>>, vector<1x4xf32>
    %sub3A = vector.broadcast %get3A_4 : vector<1x4xf32> to vector<2048x4xf32>
    %sub3A_5 = arith.subf %get3A_1, %sub3A : vector<2048x4xf32>
    %get3A_6 = arith.constant 0 : index
    %get3A_7 = arith.constant 0 : index
    %get3A_8 = vector.load %arg10[%get3A_6, %get3A_7] : memref<1x4xf32, #tpu.memory_space<vmem>>, vector<1x4xf32>
    %mul3A = vector.broadcast %get3A_8 : vector<1x4xf32> to vector<2048x4xf32>
    %mul3A_9 = arith.mulf %sub3A_5, %mul3A : vector<2048x4xf32>
    %get3A_10 = arith.constant 0 : index
    %get3A_11 = arith.constant 0 : index
    %get3A_12 = vector.load %arg1[%get3A_10, %get3A_11] : memref<2048x128xf32, #tpu.memory_space<vmem>>, vector<2048x128xf32>
    %get3A_13 = arith.constant 0 : index
    %get3A_14 = arith.constant 0 : index
    %get3A_15 = vector.load %arg2[%get3A_13, %get3A_14] : memref<2048x128xf32, #tpu.memory_space<vmem>>, vector<2048x128xf32>
    %get3A_16 = arith.constant 0 : index
    %get3A_17 = arith.constant 0 : index
    %get3A_18 = vector.load %arg3[%get3A_16, %get3A_17] : memref<2048x128xf32, #tpu.memory_space<vmem>>, vector<2048x128xf32>
    %get3A_19 = arith.constant 0 : index
    %get3A_20 = arith.constant 0 : index
    %get3A_21 = vector.load %arg4[%get3A_19, %get3A_20] : memref<2048x128xf32, #tpu.memory_space<vmem>>, vector<2048x128xf32>
    %get3A_22 = arith.constant 0 : index
    %get3A_23 = arith.constant 0 : index
    %get3A_24 = vector.load %arg5[%get3A_22, %get3A_23] : memref<2048x128xf32, #tpu.memory_space<vmem>>, vector<2048x128xf32>
    %get3A_25 = arith.constant 0 : index
    %get3A_26 = arith.constant 0 : index
    %get3A_27 = vector.load %arg6[%get3A_25, %get3A_26] : memref<2048x128xf32, #tpu.memory_space<vmem>>, vector<2048x128xf32>
    %get3A_28 = arith.constant 0 : index
    %get3A_29 = arith.constant 0 : index
    %get3A_30 = vector.load %arg7[%get3A_28, %get3A_29] : memref<2048x128xf32, #tpu.memory_space<vmem>>, vector<2048x128xf32>
    %concatenate3A = tpu.concatenate %get3A_12, %get3A_15, %get3A_18, %get3A_21, %get3A_24, %get3A_27, %mul3A_9, %get3A_30 in 1 : vector<2048x128xf32>, vector<2048x128xf32>, vector<2048x128xf32>, vector<2048x128xf32>, vector<2048x128xf32>, vector<2048x128xf32>, vector<2048x4xf32>, vector<2048x128xf32> -> vector<2048x900xf32>
    %get3A_31 = arith.constant 0 : index
    %get3A_32 = arith.constant 0 : index
    %get3A_33 = vector.load %arg11[%get3A_31, %get3A_32] : memref<900x100xf32, #tpu.memory_space<vmem>>, vector<900x100xf32>
    %dot_general3A = arith.constant dense<0.000000e+00> : vector<2048x100xf32>
    %dot_general3A_34 = tpu.matmul %concatenate3A, %get3A_33, %dot_general3A {dimension_numbers = #tpu.dot_dimension_numbers<[1], [0], [0], [1], [0, 0, 1, 1], [], []>, transpose_lhs_hint = false} : vector<2048x900xf32>, vector<900x100xf32>, vector<2048x100xf32> -> vector<2048x100xf32>
    %get3A_35 = arith.constant 0 : index
    %get3A_36 = arith.constant 0 : index
    %get3A_37 = vector.load %arg12[%get3A_35, %get3A_36] : memref<100x900xf32, #tpu.memory_space<vmem>>, vector<100x900xf32>
    %dot_general3A_38 = arith.constant dense<0.000000e+00> : vector<2048x900xf32>
    %dot_general3A_39 = tpu.matmul %dot_general3A_34, %get3A_37, %dot_general3A_38 {dimension_numbers = #tpu.dot_dimension_numbers<[1], [0], [0], [1], [0, 0, 1, 1], [], []>, transpose_lhs_hint = false} : vector<2048x100xf32>, vector<100x900xf32>, vector<2048x900xf32> -> vector<2048x900xf32>
    %get3A_40 = arith.constant 0 : index
    %get3A_41 = arith.constant 0 : index
    %get3A_42 = vector.load %arg13[%get3A_40, %get3A_41] : memref<1x900xf32, #tpu.memory_space<vmem>>, vector<1x900xf32>
    %add3A = vector.broadcast %get3A_42 : vector<1x900xf32> to vector<2048x900xf32>
    %add3A_43 = arith.addf %dot_general3A_39, %add3A : vector<2048x900xf32>
    %mul3A_44 = arith.mulf %concatenate3A, %add3A_43 : vector<2048x900xf32>
    %add3A_45 = arith.addf %mul3A_44, %concatenate3A : vector<2048x900xf32>
    %get3A_46 = arith.constant 0 : index
    %get3A_47 = arith.constant 0 : index
    %get3A_48 = vector.load %arg14[%get3A_46, %get3A_47] : memref<900x512xf32, #tpu.memory_space<vmem>>, vector<900x512xf32>
    %dot_general3A_49 = arith.constant dense<0.000000e+00> : vector<2048x512xf32>
    %dot_general3A_50 = tpu.matmul %add3A_45, %get3A_48, %dot_general3A_49 {dimension_numbers = #tpu.dot_dimension_numbers<[1], [0], [0], [1], [0, 0, 1, 1], [], []>, transpose_lhs_hint = false} : vector<2048x900xf32>, vector<900x512xf32>, vector<2048x512xf32> -> vector<2048x512xf32>
    %get3A_51 = arith.constant 0 : index
    %get3A_52 = arith.constant 0 : index
    %get3A_53 = vector.load %arg15[%get3A_51, %get3A_52] : memref<1x512xf32, #tpu.memory_space<vmem>>, vector<1x512xf32>
    %add3A_54 = vector.broadcast %get3A_53 : vector<1x512xf32> to vector<2048x512xf32>
    %add3A_55 = arith.addf %dot_general3A_50, %add3A_54 : vector<2048x512xf32>
    %max3A = arith.constant 0.000000e+00 : f32
    %max3A_56 = vector.broadcast %max3A : f32 to vector<2048x512xf32>
    %max3A_57 = arith.maximumf %add3A_55, %max3A_56 : vector<2048x512xf32>
    %get3A_58 = arith.constant 0 : index
    %get3A_59 = arith.constant 0 : index
    %get3A_60 = vector.load %arg16[%get3A_58, %get3A_59] : memref<512x256xf32, #tpu.memory_space<vmem>>, vector<512x256xf32>
    %dot_general3A_61 = arith.constant dense<0.000000e+00> : vector<2048x256xf32>
    %dot_general3A_62 = tpu.matmul %max3A_57, %get3A_60, %dot_general3A_61 {dimension_numbers = #tpu.dot_dimension_numbers<[1], [0], [0], [1], [0, 0, 1, 1], [], []>, transpose_lhs_hint = false} : vector<2048x512xf32>, vector<512x256xf32>, vector<2048x256xf32> -> vector<2048x256xf32>
    %get3A_63 = arith.constant 0 : index
    %get3A_64 = arith.constant 0 : index
    %get3A_65 = vector.load %arg17[%get3A_63, %get3A_64] : memref<1x256xf32, #tpu.memory_space<vmem>>, vector<1x256xf32>
    %add3A_66 = vector.broadcast %get3A_65 : vector<1x256xf32> to vector<2048x256xf32>
    %add3A_67 = arith.addf %dot_general3A_62, %add3A_66 : vector<2048x256xf32>
    %max3A_68 = arith.constant 0.000000e+00 : f32
    %max3A_69 = vector.broadcast %max3A_68 : f32 to vector<2048x256xf32>
    %max3A_70 = arith.maximumf %add3A_67, %max3A_69 : vector<2048x256xf32>
    %get3A_71 = arith.constant 0 : index
    %get3A_72 = arith.constant 0 : index
    %get3A_73 = vector.load %arg18[%get3A_71, %get3A_72] : memref<256x128xf32, #tpu.memory_space<vmem>>, vector<256x128xf32>
    %dot_general3A_74 = arith.constant dense<0.000000e+00> : vector<2048x128xf32>
    %dot_general3A_75 = tpu.matmul %max3A_70, %get3A_73, %dot_general3A_74 {dimension_numbers = #tpu.dot_dimension_numbers<[1], [0], [0], [1], [0, 0, 1, 1], [], []>, transpose_lhs_hint = false} : vector<2048x256xf32>, vector<256x128xf32>, vector<2048x128xf32> -> vector<2048x128xf32>
    %get3A_76 = arith.constant 0 : index
    %get3A_77 = arith.constant 0 : index
    %get3A_78 = vector.load %arg19[%get3A_76, %get3A_77] : memref<1x128xf32, #tpu.memory_space<vmem>>, vector<1x128xf32>
    %add3A_79 = vector.broadcast %get3A_78 : vector<1x128xf32> to vector<2048x128xf32>
    %add3A_80 = arith.addf %dot_general3A_75, %add3A_79 : vector<2048x128xf32>
    %swap3A = arith.constant 0 : index
    %swap3A_81 = arith.constant 0 : index
    %swap3A_82 = vector.load %arg20[%swap3A, %swap3A_81] : memref<2048x128xf32, #tpu.memory_space<vmem>>, vector<2048x128xf32>
    tpu.vector_store %arg20[%swap3A, %swap3A_81], %add3A_80 {strides = array<i32>} : memref<2048x128xf32, #tpu.memory_space<vmem>>, vector<2048x128xf32>,
    return
  }
  func.func @transform_0(%arg0: i32) -> (i32, i32) {
    %c0_i32 = arith.constant 0 : i32
    %c0_i32_0 = arith.constant 0 : i32
    return %arg0, %c0_i32 : i32, i32
  }
  func.func @transform_1(%arg0: i32) -> (i32, i32) {
    %c0_i32 = arith.constant 0 : i32
    %c0_i32_0 = arith.constant 0 : i32
    return %arg0, %c0_i32 : i32, i32
  }
  func.func @transform_2(%arg0: i32) -> (i32, i32) {
    %c0_i32 = arith.constant 0 : i32
    %c0_i32_0 = arith.constant 0 : i32
    return %arg0, %c0_i32 : i32, i32
  }
  func.func @transform_3(%arg0: i32) -> (i32, i32) {
    %c0_i32 = arith.constant 0 : i32
    %c0_i32_0 = arith.constant 0 : i32
    return %arg0, %c0_i32 : i32, i32
  }
  func.func @transform_4(%arg0: i32) -> (i32, i32) {
    %c0_i32 = arith.constant 0 : i32
    %c0_i32_0 = arith.constant 0 : i32
    return %arg0, %c0_i32 : i32, i32
  }
  func.func @transform_5(%arg0: i32) -> (i32, i32) {
    %c0_i32 = arith.constant 0 : i32
    %c0_i32_0 = arith.constant 0 : i32
    return %arg0, %c0_i32 : i32, i32
  }
  func.func @transform_6(%arg0: i32) -> (i32, i32) {
    %c0_i32 = arith.constant 0 : i32
    %c0_i32_0 = arith.constant 0 : i32
    return %arg0, %c0_i32 : i32, i32
  }
  func.func @transform_7(%arg0: i32) -> (i32, i32) {
    %c0_i32 = arith.constant 0 : i32
    %c0_i32_0 = arith.constant 0 : i32
    return %arg0, %c0_i32 : i32, i32
  }
  func.func @transform_8(%arg0: i32) -> (i32, i32) {
    %c0_i32 = arith.constant 0 : i32
    %c0_i32_0 = arith.constant 0 : i32
    %c0_i32_1 = arith.constant 0 : i32
    return %c0_i32, %c0_i32_0 : i32, i32
  }
  func.func @transform_9(%arg0: i32) -> (i32, i32) {
    %c0_i32 = arith.constant 0 : i32
    %c0_i32_0 = arith.constant 0 : i32
    %c0_i32_1 = arith.constant 0 : i32
    return %c0_i32, %c0_i32_0 : i32, i32
  }
  func.func @transform_10(%arg0: i32) -> (i32, i32) {
    %c0_i32 = arith.constant 0 : i32
    %c0_i32_0 = arith.constant 0 : i32
    %c0_i32_1 = arith.constant 0 : i32
    return %c0_i32, %c0_i32_0 : i32, i32
  }
  func.func @transform_11(%arg0: i32) -> (i32, i32) {
    %c0_i32 = arith.constant 0 : i32
    %c0_i32_0 = arith.constant 0 : i32
    %c0_i32_1 = arith.constant 0 : i32
    return %c0_i32, %c0_i32_0 : i32, i32
  }
  func.func @transform_12(%arg0: i32) -> (i32, i32) {
    %c0_i32 = arith.constant 0 : i32
    %c0_i32_0 = arith.constant 0 : i32
    %c0_i32_1 = arith.constant 0 : i32
    return %c0_i32, %c0_i32_0 : i32, i32
  }
  func.func @transform_13(%arg0: i32) -> (i32, i32) {
    %c0_i32 = arith.constant 0 : i32
    %c0_i32_0 = arith.constant 0 : i32
    %c0_i32_1 = arith.constant 0 : i32
    return %c0_i32, %c0_i32_0 : i32, i32
  }
  func.func @transform_14(%arg0: i32) -> (i32, i32) {
    %c0_i32 = arith.constant 0 : i32
    %c0_i32_0 = arith.constant 0 : i32
    %c0_i32_1 = arith.constant 0 : i32
    return %c0_i32, %c0_i32_0 : i32, i32
  }
  func.func @transform_15(%arg0: i32) -> (i32, i32) {
    %c0_i32 = arith.constant 0 : i32
    %c0_i32_0 = arith.constant 0 : i32
    %c0_i32_1 = arith.constant 0 : i32
    return %c0_i32, %c0_i32_0 : i32, i32
  }
  func.func @transform_16(%arg0: i32) -> (i32, i32) {
    %c0_i32 = arith.constant 0 : i32
    %c0_i32_0 = arith.constant 0 : i32
    %c0_i32_1 = arith.constant 0 : i32
    return %c0_i32, %c0_i32_0 : i32, i32
  }
  func.func @transform_17(%arg0: i32) -> (i32, i32) {
    %c0_i32 = arith.constant 0 : i32
    %c0_i32_0 = arith.constant 0 : i32
    %c0_i32_1 = arith.constant 0 : i32
    return %c0_i32, %c0_i32_0 : i32, i32
  }
  func.func @transform_18(%arg0: i32) -> (i32, i32) {
    %c0_i32 = arith.constant 0 : i32
    %c0_i32_0 = arith.constant 0 : i32
    %c0_i32_1 = arith.constant 0 : i32
    return %c0_i32, %c0_i32_0 : i32, i32
  }
  func.func @transform_19(%arg0: i32) -> (i32, i32) {
    %c0_i32 = arith.constant 0 : i32
    %c0_i32_0 = arith.constant 0 : i32
    return %arg0, %c0_i32 : i32, i32
  }
}

</mosaic_0001>

<sc_bundles>
// kernel: kernel.4.cloned.1.call-start
scs
__scs_entry_jumppad:
0x0: {  	(pc) =	sbr.rel $0x88, $3  }
0x1: {  	(tag) =	ssettag $0x0;
	lr =	simm.s32 $0x1  }
0x2: {  	[smem:$0x3F87] =	sst lr;
	_ =	strace $0xD0000000  }
0x3: {  	_ = 	snop  }
0x4: {  	_ = 	snop  }
0x5: {  	_ = 	snop  }
0x6: {  	_ = 	snop  }
0x7: {  	_ = 	snop  }
__scs_overlays_trampoline_lowered:
0x8: {  	[smem:$0x3F96] =	sst s0  }
0x9: {  	[smem:$0x3F97] =	sst s1  }
0xa: {  	[smem:$0x3F98] =	sst s2  }
0xb: {  	[smem:$0x3F99] =	sst s3  }
0xc: {  	[smem:$0x3F9A] =	sst s4  }
0xd: {  	[smem:$0x3F9B] =	sst s5  }
0xe: {  	[smem:$0x3F9C] =	sst s6  }
0xf: {  	[smem:$0x3F9D] =	sst s7  }
0x10: {  	[smem:$0x3F9E] =	sst s8  }
0x11: {  	[smem:$0x3F9F] =	sst s9;
	s0 =	simm.s32 @!p0 $0x0  }
0x12: {  	s1 =	sld [smem:$0x3F85];
	s0 =	simm.s32 @p0 $0x1  }
0x13: {  	[smem:$0x3FA0] =	sst s0;
	s0 =	simm.s32 @!p1 $0x0  }
0x14: {  	s2 =	sld [smem:$0x3F84];
	s0 =	simm.s32 @p1 $0x1  }
0x15: {  	[smem:$0x3FA1] =	sst s0;
	s0 =	simm.s32 @!p2 $0x0  }
0x16: {  	s3 =	sld [smem:$0x3FDB];
	s0 =	simm.s32 @p2 $0x1  }
0x17: {  	s4 =	simm.s32 $0x1BF5;
	[smem:$0x3FA3] =	sst s0  }
0x18: {  	s0 =	sld [smem:$0x3F86];
	_ =	swait.ge [sflag:s4], $0x0  }
0x19: {  	s7 =	sld [smem:$0x3F87]  }
0x1a: {  	s8 =	sadd.s32 $0xFFFFE003, lr  }
0x1b: {  	s9 =	sadd.s32 $0xFFFFFEF7, lr;
	s5 =	simm.s32 $0xFFFFFFFF;
	p2 =	slt.u32 s8, $0xFFFFF086  }
0x1c: {  	p1 =	slt.u32 s9, $0xF7A;
	s5 =	simm.s32 @!p2 $0x0  }
0x1d: {  	s5 =	simm.s32 @p1 $0x1;
	p0 =	seq.s32 s7, s2  }
0x1e: {  	s7 =	smul.u32 @!p0 $0xF7A, s2;
	p2 =	seq.s32 @!p0 s5, $0x0  }
0x1f: {  	s9 =	smul.u32 $0xF7A, s1;
	s8 =	simm.s32 @!p0 $0x1BF5;
	p2 =	por !p2, p0  }
0x20: {  	[sflag:s8] =	ssyncset.s32 @!p0 $0xFFFFF086;
	s6 =	sadd.s32 @!p0 s3, s7;
	s7 =	simm.s32 @!p0 $0x108  }
0x21: {  	s3 =	sadd.s32 s3, s9;
	s6 =	sadd.s32 @!p0 $0x88, s6;
	s7 =	simm.s32 @p2 $0x1082  }
0x22: {  	[simem:s7], [sflag:s8] =	dma.local @!p0 [hbm:s6], $0xF7A  }
0x23: {  	s9 =	sor.u32 $0xD0000000, s2;
	s6 =	simm.s32 $0x108;
	_ =	swait.ge @!p0 [sflag:s8], $0x0  }
0x24: {  	s3 =	sadd.s32 $0x88, s3;
	s6 =	simm.s32 @!p1 $0x1082;
	[sflag:s4] =	ssyncset.s32 $0xFFFFF086  }
0x25: {  	[simem:s6], [sflag:s4] =	dma.local [hbm:s3], $0xF7A  }
0x26: {  	[smem:$0x3F87] =	sst s1;
	(tag) =	ssettag s2;
	_ =	strace s9  }
0x27: {  	s1 =	sld [smem:$0x3F97]  }
0x28: {  	s2 =	sld [smem:$0x3F98]  }
0x29: {  	s4 =	sld [smem:$0x3F9A]  }
0x2a: {  	p0 =	seq.s32 s5, $0x0;
	s5 =	sld [smem:$0x3F9B]  }
0x2b: {  	s6 =	sld [smem:$0x3F9C]  }
0x2c: {  	s7 =	sld [smem:$0x3F9D]  }
0x2d: {  	s3 =	simm.s32 $0x108;
	s8 =	sld [smem:$0x3F9E]  }
0x2e: {  	s3 =	simm.s32 @!p0 $0x1082;
	s9 =	sld [smem:$0x3F9F]  }
0x2f: {  	lr =	sadd.s32 s0, s3;
	s0 =	sld [smem:$0x3F96]  }
0x30: {  	s3 =	sld [smem:$0x3F99]  }
0x31: {  	[smem:$0x3FA2] =	sst s10  }
0x32: {  	s10 =	sld [smem:$0x3FA0];
	_ =	sdelay $0x3  }
0x33: {  	p0 =	seq.s32 s10, $0x1;
	s10 =	sld [smem:$0x3FA2];
	_ =	sdelay $0x3  }
0x34: {  	[smem:$0x3FA2] =	sst s10  }
0x35: {  	s10 =	sld [smem:$0x3FA1];
	_ =	sdelay $0x3  }
0x36: {  	p1 =	seq.s32 s10, $0x1;
	s10 =	sld [smem:$0x3FA2];
	_ =	sdelay $0x3  }
0x37: {  	[smem:$0x3FA2] =	sst s10  }
0x38: {  	s10 =	sld [smem:$0x3FA3]  }
0x39: {  	_ = 	snop;
	(pc) =	sbr.ind lr, $3  }
0x3a: {  	_ = 	snop  }
0x3b: {  	_ = 	snop  }
0x3c: {  	p2 =	seq.s32 s10, $0x1;
	s10 =	sld [smem:$0x3FA2]  }
0x3d: {  	_ =	shalt  }
0x3e: {  	_ =	shalt  }
0x3f: {  	_ =	shalt  }
0x40: {  	_ =	shalt  }
0x41: {  	_ =	shalt  }
0x42: {  	_ =	shalt  }
0x43: {  	_ =	shalt  }
0x44: {  	_ =	shalt  }
0x45: {  	_ =	shalt  }
0x46: {  	_ =	shalt  }
0x47: {  	_ =	shalt  }
0x48: {  	_ =	shalt  }
0x49: {  	_ =	shalt  }
0x4a: {  	_ =	shalt  }
0x4b: {  	_ =	shalt  }
0x4c: {  	_ =	shalt  }
0x4d: {  	_ =	shalt  }
0x4e: {  	_ =	shalt  }
0x4f: {  	_ =	shalt  }
0x50: {  	_ =	shalt  }
0x51: {  	_ =	shalt  }
0x52: {  	_ =	shalt  }
0x53: {  	_ =	shalt  }
0x54: {  	_ =	shalt  }
0x55: {  	_ =	shalt  }
0x56: {  	_ =	shalt  }
0x57: {  	_ =	shalt  }
0x58: {  	_ =	shalt  }
0x59: {  	_ =	shalt  }
0x5a: {  	_ =	shalt  }
0x5b: {  	_ =	shalt  }
0x5c: {  	_ =	shalt  }
0x5d: {  	_ =	shalt  }
0x5e: {  	_ =	shalt  }
0x5f: {  	_ =	shalt  }
0x60: {  	_ =	shalt  }
0x61: {  	_ =	shalt  }
0x62: {  	_ =	shalt  }
0x63: {  	_ =	shalt  }
0x64: {  	_ =	shalt  }
0x65: {  	_ =	shalt  }
0x66: {  	_ =	shalt  }
0x67: {  	_ =	shalt  }
0x68: {  	_ =	shalt  }
0x69: {  	_ =	shalt  }
0x6a: {  	_ =	shalt  }
0x6b: {  	_ =	shalt  }
0x6c: {  	_ =	shalt  }
0x6d: {  	_ =	shalt  }
0x6e: {  	_ =	shalt  }
0x6f: {  	_ =	shalt  }
0x70: {  	_ =	shalt  }
0x71: {  	_ =	shalt  }
0x72: {  	_ =	shalt  }
0x73: {  	_ =	shalt  }
0x74: {  	_ =	shalt  }
0x75: {  	_ =	shalt  }
0x76: {  	_ =	shalt  }
0x77: {  	_ =	shalt  }
0x78: {  	_ =	shalt  }
0x79: {  	_ =	shalt  }
0x7a: {  	_ =	shalt  }
0x7b: {  	_ =	shalt  }
0x7c: {  	_ =	shalt  }
0x7d: {  	_ =	shalt  }
0x7e: {  	_ =	shalt  }
0x7f: {  	_ =	shalt  }
0x80: {  	_ =	shalt  }
0x81: {  	_ =	shalt  }
0x82: {  	_ =	shalt  }
0x83: {  	_ =	shalt  }
0x84: {  	_ =	shalt  }
0x85: {  	_ =	shalt  }
0x86: {  	_ =	shalt  }
0x87: {  	_ =	shalt  }
.Lfunc_end0:
.L_simem_size_0:
called_computation_lowered:
.L_overlay_start_0:
0x88: {  	s2 =	sld [smem:$0x3FD9]  }
0x89: {  	s3 =	sld [smem:$0x3FFE];
	_ =	sdelay $0x1  }
0x8a: {  	s1 =	srdreg.scid  }
0x8b: {  	s0 =	sand.u32 $0x1, s1  }
0x8c: {  	s24 =	sshll.u32 s0, $0xA;
	s2 =	sadd.s32 s3, s2  }
0x8d: {  	s2 =	sadd.s32 s2, s24  }
0x8e: {  	[smem:$0x3FAE] =	sst s2  }
0x8f: {  	_ = 	snop  }
0x90: {  	s2 =	sld [smem:$0x3FC9]  }
0x91: {  	s3 =	sld [smem:$0x3FC8]  }
0x92: {  	s4 =	sld [smem:$0x3FC7]  }
0x93: {  	s5 =	sld [smem:$0x3FC6]  }
0x94: {  	s6 =	sld [smem:$0x3FC5]  }
0x95: {  	s7 =	sld [smem:$0x3FC4]  }
0x96: {  	s9 =	sld [smem:$0x3FBF]  }
0x97: {  	s10 =	sld [smem:$0x3FBE]  }
0x98: {  	s11 =	sld [smem:$0x3FBD]  }
0x99: {  	s12 =	sld [smem:$0x3FBC]  }
0x9a: {  	s13 =	sld [smem:$0x3FBB]  }
0x9b: {  	s14 =	sld [smem:$0x3FBA]  }
0x9c: {  	s15 =	sld [smem:$0x3FB9]  }
0x9d: {  	s8 =	sld [smem:$0x3FD0];
	(tm) =	ssettm $0x1  }
0x9e: {  	s16 =	sld [smem:$0x3FFB];
	_ =	sdelay $0x3  }
0x9f: {  	_ =	strace s16  }
0xa0: {  	s16 =	sld [smem:$0x3FFC];
	_ =	sdelay $0x3  }
0xa1: {  	_ =	strace s16  }
0xa2: {  	s16 =	sld [smem:$0x3FFD];
	_ =	sdelay $0x3  }
0xa3: {  	_ =	strace s16  }
0xa4: {  	_ =	strace $0x8FFFFFFF  }
0xa5: {  	s25 =	sld [smem:$0x3FDB];
	_ =	sdelay $0x1  }
0xa6: {  	s17 =	simm.s32 $_scs_section_size  }
0xa7: {  	s18 =	simm.s32 $_size__tile_task_arg_handler_lowered;
	s19 =	simm.s32 $_tile_task_arg_handler_lowered  }
0xa8: {  	s29 =	simm.s32 $0x1BFF;
	s28 =	sshll.u32 s19, $0x1;
	s17 =	sadd.s32 s17, s25  }
0xa9: {  	s20 =	simm.s32 $0x60;
	s26 =	sshll.u32 s18, $0x1;
	s18 =	sadd.s32 s28, s17  }
0xaa: {  	[timem:s20], [sflag:s29] =	dma.local [hbm:s18], s26  }
0xab: {  	_ =	swait.ge [sflag:s29], s26  }
0xac: {  	s30 =	simm.s32 $_tile_overlayer_lowered;
	s16 =	ssub.s32 $0x0, s26;
	[sflag:s29] =	ssyncset.done $0x0  }
0xad: {  	s31 =	simm.s32 $_size__tile_overlayer_lowered;
	s18 =	sshll.u32 s30, $0x1;
	[sflag:s29] =	ssyncadd.s32 s16  }
0xae: {  	s21 =	simm.s32 $0x0;
	s18 =	sadd.s32 s18, s17;
	s16 =	sshll.u32 s31, $0x1  }
0xaf: {  	[timem:s21], [sflag:s29] =	dma.local [hbm:s18], s16  }
0xb0: {  	_ =	swait.ge [sflag:s29], s16  }
0xb1: {  	s22 =	ssub.s32 $0x0, s16;
	[sflag:s29] =	ssyncset.done $0x0  }
0xb2: {  	[sflag:s29] =	ssyncadd.s32 s22;
	_ =	sdelay $0x1  }
0xb3: {  	s23 =	simm.s32 $0x1B8B  }
0xb4: {  	_ =	swait.ge [sflag:s23], $0x1  }
0xb5: {  	[sflag:s23] =	ssyncset.done $0x0  }
0xb6: {  	s25 =	simm.s32 $0x1B8E;
	s24 =	sld [smem:$0x3FFE];
	[sflag:s23] =	ssyncadd.s32 $0xFFFFFFFF  }
0xb7: {  	s26 =	simm.s32 $execute0_lowered;
	[smem:$0x3FD2] =	sst s25  }
0xb8: {  	s19 =	sshll.u32 s26, $0x1;
	_ =	strace $0x80000046;
	[dreg:$0x1] =	wrdreg $0xFFFFFFFF  }
0xb9: {  	s28 =	simm.s32 $_size_execute0_lowered;
	s17 =	sadd.s32 s17, s19;
	[dreg:$0x0] =	wrdreg $0x0  }
0xba: {  	s19 =	sshll.u32 s28, $0x1;
	[dreg:$0x2] =	wrdreg s17  }
0xbb: {  	[dreg:$0x3] =	wrdreg s19  }
0xbc: {  	[dreg:$0x4] =	wrdreg $0xC0  }
0xbd: {  	_ =	task [dreg:s21], $0x5FFFF  }
0xbe: {  	[dreg:$0x1] =	wrdreg $0xFFFFFFFF  }
0xbf: {  	[dreg:$0x0] =	wrdreg $0x30  }
0xc0: {  	[dreg:$0x2] =	wrdreg $0x0  }
0xc1: {  	[dreg:$0x3] =	wrdreg s24  }
0xc2: {  	[dreg:$0x4] =	wrdreg $0x9  }
0xc3: {  	_ =	task [dreg:s21], $0x5FFFF  }
0xc4: {  	[dreg:$0x1] =	wrdreg $0xFFFFFFFF  }
0xc5: {  	[dreg:$0x0] =	wrdreg $0x60  }
0xc6: {  	[dreg:$0x2] =	wrdreg s9  }
0xc7: {  	[dreg:$0x3] =	wrdreg s10  }
0xc8: {  	[dreg:$0x4] =	wrdreg s11  }
0xc9: {  	[dreg:$0x5] =	wrdreg s12  }
0xca: {  	[dreg:$0x6] =	wrdreg s13  }
0xcb: {  	[dreg:$0x7] =	wrdreg s14  }
0xcc: {  	[dreg:$0x8] =	wrdreg s15  }
0xcd: {  	[dreg:$0x9] =	wrdreg s2  }
0xce: {  	[dreg:$0xa] =	wrdreg s3  }
0xcf: {  	[dreg:$0xb] =	wrdreg s4  }
0xd0: {  	[dreg:$0xc] =	wrdreg s5  }
0xd1: {  	[dreg:$0xd] =	wrdreg s6  }
0xd2: {  	[dreg:$0xe] =	wrdreg s7  }
0xd3: {  	[dreg:$0xf] =	wrdreg s8  }
0xd4: {  	_ =	task.clear_ibuf [dreg:s21], $0x10FFFF;
	_ =	strace $0x90000046  }
0xd5: {  	s29 =	simm.s32 $0x9;
	_ =	strace $0x80000048  }
0xd6: {  	_ =	swait.ge [sflag:s29], $0x1  }
0xd7: {  	[sflag:s29] =	ssyncadd.s32 $0xFFFFFFFF  }
0xd8: {  	_ =	strace $0x90000048  }
0xd9: {  	_ =	sfence  }
0xda: {  	s30 =	sld [smem:$0x0];
	_ =	sdelay $0x2  }
0xdb: {  	s31 =	sshll.u32 s1, $0xD;
	s1 =	sshrl.u32 s1, $0x2  }
0xdc: {  	s3 =	sand.u32 $0x4000, s31;
	s1 =	sadd.s32 s1, s30  }
0xdd: {  	s0 =	sor.u32 s3, s0;
	s1 =	sshll.u32 s1, $0x11  }
0xde: {  	s0 =	sor.u32 s1, s0  }
0xdf: {  	s0 =	sadd.s32 $0x8F2B, s0  }
0xe0: {  	[sflag:s0] =	ssyncadd.remote.s32 $0x1  }
0xe1: {  	_ =	sfence.sel $0xFFFF  }
0xe2: {  	[dreg:$0x0] =	wrdreg $0xFFFFFFFF;
	(pc) =	sbr.abs _section_cstart, $3  }
0xe3: {  	[dreg:$0x1] =	wrdreg $0xFFFFFFFF  }
0xe4: {  	_ =	task.clear_ibuf [dreg:s21], $0x2FFFF;
	_ =	strace $0x9FFFFFFF  }
0xe5: {  	(tm) =	ssettm $0x7FFFFFFF  }
tec
_tile_task_arg_handler_lowered:
.L_overlay_start_1:
0x0: {  	(tag) =	ssettag $0x1  }
0x1: {  	s0 =	rddreg [dreg:$0x0]  }
0x2: {  	s1 =	rddreg [dreg:$0x1]  }
0x3: {  	s2 =	rddreg [dreg:$0x2]  }
0x4: {  	s3 =	rddreg [dreg:$0x3]  }
0x5: {  	s4 =	rddreg [dreg:$0x4]  }
0x6: {  	s5 =	rddreg [dreg:$0x5]  }
0x7: {  	s6 =	rddreg [dreg:$0x6]  }
0x8: {  	s7 =	rddreg [dreg:$0x7]  }
0x9: {  	s8 =	rddreg [dreg:$0x8]  }
0xa: {  	s9 =	rddreg [dreg:$0x9]  }
0xb: {  	s10 =	rddreg [dreg:$0xa]  }
0xc: {  	s11 =	rddreg [dreg:$0xb]  }
0xd: {  	s12 =	rddreg [dreg:$0xc]  }
0xe: {  	s13 =	rddreg [dreg:$0xd]  }
0xf: {  	[smem:s0] =	sst s1  }
0x10: {  	[smem:s0+$0x1] =	sst s2  }
0x11: {  	[smem:s0+$0x2] =	sst s3  }
0x12: {  	[smem:s0+$0x3] =	sst s4  }
0x13: {  	[smem:s0+$0x4] =	sst s5  }
0x14: {  	[smem:s0+$0x5] =	sst s6  }
0x15: {  	[smem:s0+$0x6] =	sst s7  }
0x16: {  	[smem:s0+$0x7] =	sst s8  }
0x17: {  	[smem:s0+$0x8] =	sst s9  }
0x18: {  	[smem:s0+$0x9] =	sst s10  }
0x19: {  	[smem:s0+$0xA] =	sst s11  }
0x1a: {  	[smem:s0+$0xB] =	sst s12  }
0x1b: {  	[smem:s0+$0xC] =	sst s13;
	_ =	shalt  }
.Lfunc_end2:
execute0_lowered:
.L_overlay_start_2:
0x1c: {  	(tag) =	ssettag $0x2  }
0x1d: {  	s0 =	rddreg [dreg:$0x0]  }
0x1e: {  	s14 =	rddreg [dreg:$0x1]  }
0x1f: {  	s15 =	rddreg [dreg:$0x2]  }
0x20: {  	s16 =	rddreg [dreg:$0x3]  }
0x21: {  	s17 =	rddreg [dreg:$0x4]  }
0x22: {  	s18 =	rddreg [dreg:$0x5]  }
0x23: {  	s19 =	rddreg [dreg:$0x6]  }
0x24: {  	s3 =	rddreg [dreg:$0x7]  }
0x25: {  	s7 =	rddreg [dreg:$0x8]  }
0x26: {  	s6 =	rddreg [dreg:$0x9]  }
0x27: {  	s8 =	rddreg [dreg:$0xa]  }
0x28: {  	s10 =	rddreg [dreg:$0xb]  }
0x29: {  	s12 =	rddreg [dreg:$0xc]  }
0x2a: {  	s23 =	rddreg [dreg:$0xd]  }
0x2b: {  	[dreg:$0xe] =	wrdreg s0  }
0x2c: {  	[dreg:$0xf] =	wrdreg s14  }
0x2d: {  	[dreg:$0x10] =	wrdreg s15  }
0x2e: {  	[dreg:$0x11] =	wrdreg s16  }
0x2f: {  	s1 =	simm.s32 $0x0;
	[dreg:$0x12] =	wrdreg s17  }
0x30: {  	s20 =	srdreg.scid;
	[smem:$0x7FF] =	sst s1  }
0x31: {  	s2 =	stileid.u32;
	s0 =	sand.u32 $0x1, s20;
	s21 =	sld [smem:$0x1]  }
0x32: {  	[dreg:$0x13] =	wrdreg s18;
	s2 =	sshll.u32 s2, $0x8;
	s5 =	sshll.u32 s0, $0x7  }
0x33: {  	[dreg:$0x14] =	wrdreg s19;
	s25 =	sor.u32 s5, s2  }
0x34: {  	s13 =	sshrl.u32 s25, $0x3;
	[dreg:$0x16] =	wrdreg s21  }
0x35: {  	s24 =	sld [smem:$0x0];
	s22 =	sadd.s32 s3, s13;
	_ =	strace $0x80000047  }
0x36: {  	[tilespmem:s1], [sflag:$0x2] =	stream.linear.gather [hbm4b:s22+s1], $0x80, $0x38;
	[tilespmem:$0x1C300] =	vst v63  }
0x37: {  	s5 =	simm.s32 $0x80;
	s26 =	sadd.s32 s7, s13  }
0x38: {  	[tilespmem:s5], [sflag:$0x2] =	stream.linear.gather [hbm4b:s26+s1], $0x80, $0x38;
	[tilespmem:$0x1C300] =	vst v63  }
0x39: {  	s6 =	sadd.s32 s6, s13;
	s7 =	simm.s32 $0x100  }
0x3a: {  	[tilespmem:s7], [sflag:$0x2] =	stream.linear.gather [hbm4b:s6+s1], $0x80, $0x38;
	[tilespmem:$0x1C300] =	vst v63  }
0x3b: {  	s9 =	simm.s32 $0x180;
	s8 =	sadd.s32 s8, s13  }
0x3c: {  	[tilespmem:s9], [sflag:$0x2] =	stream.linear.gather [hbm4b:s8+s1], $0x80, $0x38;
	[tilespmem:$0x1C300] =	vst v63  }
0x3d: {  	s11 =	simm.s32 $0x200;
	s14 =	simm.s32 $0x2;
	s10 =	sadd.s32 s10, s13  }
0x3e: {  	[tilespmem:s11], [sflag:$0x2] =	stream.linear.gather [hbm4b:s10+s1], $0x80, $0x38;
	[tilespmem:$0x1C300] =	vst v63  }
0x3f: {  	s12 =	sadd.s32 s12, s13;
	s13 =	simm.s32 $0x280;
	[dreg:$0x15] =	wrdreg s22  }
0x40: {  	[tilespmem:s13], [sflag:$0x2] =	stream.linear.gather [hbm4b:s12+s1], $0x80, $0x38;
	[tilespmem:$0x1C300] =	vst v63  }
0x41: {  	_ =	swait.ge [sflag:s14], $0x80  }
0x42: {  	[sflag:s14] =	ssyncset.done $0x0  }
0x43: {  	[sflag:s14] =	ssyncadd.s32 $0xFFFFFF80  }
0x44: {  	_ =	swait.ge [sflag:s14], $0x80  }
0x45: {  	[sflag:s14] =	ssyncset.done $0x0  }
0x46: {  	[sflag:s14] =	ssyncadd.s32 $0xFFFFFF80  }
0x47: {  	_ =	swait.ge [sflag:s14], $0x80  }
0x48: {  	[sflag:s14] =	ssyncset.done $0x0  }
0x49: {  	[sflag:s14] =	ssyncadd.s32 $0xFFFFFF80  }
0x4a: {  	_ =	swait.ge [sflag:s14], $0x80  }
0x4b: {  	[sflag:s14] =	ssyncset.done $0x0  }
0x4c: {  	[sflag:s14] =	ssyncadd.s32 $0xFFFFFF80  }
0x4d: {  	_ =	swait.ge [sflag:s14], $0x80  }
0x4e: {  	[sflag:s14] =	ssyncset.done $0x0  }
0x4f: {  	[sflag:s14] =	ssyncadd.s32 $0xFFFFFF80  }
0x50: {  	_ =	swait.ge [sflag:s14], $0x80  }
0x51: {  	[sflag:s14] =	ssyncset.done $0x0  }
0x52: {  	s15 =	simm.s32 $0x300;
	s16 =	rddreg [dreg:$0xe];
	[sflag:s14] =	ssyncadd.s32 $0xFFFFFF80  }
0x53: {  	[tilespmem:s15], [sflag:$0x1] =	stream.indirect.gather [hbm4b:s16+s5], $0x80, s1, s5, $0xb8;
	[tilespmem:$0x1C300] =	vst v63  }
0x54: {  	s17 =	rddreg [dreg:$0xf];
	s16 =	simm.s32 $0x4300  }
0x55: {  	[tilespmem:s16], [sflag:$0x1] =	stream.indirect.gather [hbm4b:s17+s5], $0x80, s5, s5, $0xb8;
	[tilespmem:$0x1C300] =	vst v63  }
0x56: {  	s18 =	rddreg [dreg:$0x10];
	s17 =	simm.s32 $0x8300  }
0x57: {  	[tilespmem:s17], [sflag:$0x1] =	stream.indirect.gather [hbm4b:s18+s5], $0x80, s7, s5, $0xb8;
	[tilespmem:$0x1C300] =	vst v63  }
0x58: {  	s19 =	rddreg [dreg:$0x11];
	s18 =	simm.s32 $0xC300  }
0x59: {  	[tilespmem:s18], [sflag:$0x1] =	stream.indirect.gather [hbm4b:s19+s5], $0x80, s9, s5, $0xb8;
	[tilespmem:$0x1C300] =	vst v63  }
0x5a: {  	s20 =	rddreg [dreg:$0x12];
	s19 =	simm.s32 $0x10300  }
0x5b: {  	[tilespmem:s19], [sflag:$0x1] =	stream.indirect.gather [hbm4b:s20+s5], $0x80, s11, s5, $0xb8;
	[tilespmem:$0x1C300] =	vst v63  }
0x5c: {  	s21 =	rddreg [dreg:$0x13];
	s20 =	simm.s32 $0x14300  }
0x5d: {  	[tilespmem:s20], [sflag:$0x1] =	stream.indirect.gather [hbm4b:s21+s5], $0x80, s13, s5, $0xb8;
	[tilespmem:$0x1C300] =	vst v63  }
0x5e: {  	s22 =	rddreg [dreg:$0x14];
	s21 =	simm.s32 $0x18300  }
0x5f: {  	[tilespmem:s21], [sflag:$0x1] =	stream.indirect.gather [hbm4b:s22+s5], $0x80, s13, s5, $0xb8;
	[tilespmem:$0x1C300] =	vst v63  }
0x60: {  	s22 =	simm.s32 $0x1  }
0x61: {  	_ =	swait.ge [sflag:s22], $0x4000  }
0x62: {  	s25 =	sshll.u32 s25, $0x4;
	[sflag:s22] =	ssyncset.done $0x0  }
0x63: {  	s23 =	sadd.s32 s23, s25;
	[sflag:s22] =	ssyncadd.s32 $0xFFFFC000  }
0x64: {  	[hbm4b:s23+s1] =	stream.linear.scatter [tilespmem:s15], [sflag:$0x3], $0x4000, $0x38;
	[tilespmem:$0x1C300] =	vst v63  }
0x65: {  	_ =	swait.ge [sflag:s22], $0x4000  }
0x66: {  	s30 =	sadd.s32 s25, s24;
	[sflag:s22] =	ssyncset.done $0x0  }
0x67: {  	s24 =	sadd.s32 $0x3400, s30;
	[sflag:s22] =	ssyncadd.s32 $0xFFFFC000  }
0x68: {  	[hbm4b:s24+s1] =	stream.linear.scatter [tilespmem:s16], [sflag:$0x3], $0x4000, $0x38;
	[tilespmem:$0x1C300] =	vst v63  }
0x69: {  	_ =	swait.ge [sflag:s22], $0x4000  }
0x6a: {  	[sflag:s22] =	ssyncset.done $0x0  }
0x6b: {  	s25 =	sadd.s32 $0x13400, s30;
	[sflag:s22] =	ssyncadd.s32 $0xFFFFC000  }
0x6c: {  	[hbm4b:s25+s1] =	stream.linear.scatter [tilespmem:s17], [sflag:$0x3], $0x4000, $0x38;
	[tilespmem:$0x1C300] =	vst v63  }
0x6d: {  	_ =	swait.ge [sflag:s22], $0x4000  }
0x6e: {  	[sflag:s22] =	ssyncset.done $0x0  }
0x6f: {  	s4 =	smov.u32 s26;
	s26 =	sadd.s32 $0x23400, s30;
	[sflag:s22] =	ssyncadd.s32 $0xFFFFC000  }
0x70: {  	[hbm4b:s26+s1] =	stream.linear.scatter [tilespmem:s18], [sflag:$0x3], $0x4000, $0x38;
	[tilespmem:$0x1C300] =	vst v63  }
0x71: {  	_ =	swait.ge [sflag:s22], $0x4000  }
0x72: {  	[sflag:s22] =	ssyncset.done $0x0  }
0x73: {  	s28 =	sadd.s32 $0x33400, s30;
	[sflag:s22] =	ssyncadd.s32 $0xFFFFC000  }
0x74: {  	[hbm4b:s28+s1] =	stream.linear.scatter [tilespmem:s19], [sflag:$0x3], $0x4000, $0x38;
	[tilespmem:$0x1C300] =	vst v63  }
0x75: {  	_ =	swait.ge [sflag:s22], $0x4000  }
0x76: {  	[sflag:s22] =	ssyncset.done $0x0  }
0x77: {  	s29 =	sadd.s32 $0x43400, s30;
	[sflag:s22] =	ssyncadd.s32 $0xFFFFC000  }
0x78: {  	[hbm4b:s29+s1] =	stream.linear.scatter [tilespmem:s20], [sflag:$0x3], $0x4000, $0x38;
	[tilespmem:$0x1C300] =	vst v63  }
0x79: {  	_ =	swait.ge [sflag:s22], $0x4000  }
0x7a: {  	[sflag:s22] =	ssyncset.done $0x0  }
0x7b: {  	s31 =	simm.s32 $0x3;
	s30 =	sadd.s32 $0x53400, s30;
	[sflag:s22] =	ssyncadd.s32 $0xFFFFC000  }
0x7c: {  	[hbm4b:s30+s1] =	stream.linear.scatter [tilespmem:s21], [sflag:$0x3], $0x4000, $0x38;
	[tilespmem:$0x1C300] =	vst v63  }
0x7d: {  	_ =	swait.ge [sflag:s31], $0x4000  }
0x7e: {  	[sflag:s31] =	ssyncset.done $0x0  }
0x7f: {  	[sflag:s31] =	ssyncadd.s32 $0xFFFFC000  }
0x80: {  	_ =	swait.ge [sflag:s31], $0x4000  }
0x81: {  	[sflag:s31] =	ssyncset.done $0x0  }
0x82: {  	[sflag:s31] =	ssyncadd.s32 $0xFFFFC000  }
0x83: {  	_ =	swait.ge [sflag:s31], $0x4000  }
0x84: {  	[sflag:s31] =	ssyncset.done $0x0  }
0x85: {  	[sflag:s31] =	ssyncadd.s32 $0xFFFFC000  }
0x86: {  	_ =	swait.ge [sflag:s31], $0x4000  }
0x87: {  	s0 =	ssub.s32 $0x2, s0;
	[sflag:s31] =	ssyncset.done $0x0  }
0x88: {  	s3 =	sshrl.u32 s0, $0x1;
	[sflag:s31] =	ssyncadd.s32 $0xFFFFC000  }
0x89: {  	s0 =	ssub.s32 s0, s3;
	_ =	swait.ge [sflag:s31], $0x4000  }
0x8a: {  	s0 =	smax.u32 s0, $0x1;
	[sflag:s31] =	ssyncset.done $0x0  }
0x8b: {  	p0 =	sne.s32 s0, $0x1;
	[sflag:s31] =	ssyncadd.s32 $0xFFFFC000  }
.Ltmp0:
0x8c: {  	_ =	swait.ge [sflag:s31], $0x4000;
	(pc) =	sbr.rel @!p0 .LBB3_2-.Ltmp0, $4  }
0x8d: {  	[sflag:s31] =	ssyncset.done $0x0  }
0x8e: {  	[sflag:s31] =	ssyncadd.s32 $0xFFFFC000  }
0x8f: {  	_ =	swait.ge [sflag:s31], $0x4000  }
0x90: {  	s0 =	sadd.s32 $0xFFFFFFFF, s0;
	[sflag:s31] =	ssyncset.done $0x0  }
.LBB3_1:
0x91: {  	[sflag:s31] =	ssyncadd.s32 $0xFFFFC000;
	s2 =	rddreg [dreg:$0x15]  }
0x92: {  	[tilespmem:s1], [sflag:$0x2] =	stream.linear.gather [hbm4b:s2+s1], $0x80, $0x38;
	[tilespmem:$0x1C300] =	vst v63  }
0x93: {  	_ = 	snop  }
0x94: {  	[tilespmem:s5], [sflag:$0x2] =	stream.linear.gather [hbm4b:s4+s1], $0x80, $0x38;
	[tilespmem:$0x1C300] =	vst v63  }
0x95: {  	_ = 	snop  }
0x96: {  	[tilespmem:s7], [sflag:$0x2] =	stream.linear.gather [hbm4b:s6+s1], $0x80, $0x38;
	[tilespmem:$0x1C300] =	vst v63  }
0x97: {  	_ = 	snop  }
0x98: {  	[tilespmem:s9], [sflag:$0x2] =	stream.linear.gather [hbm4b:s8+s1], $0x80, $0x38;
	[tilespmem:$0x1C300] =	vst v63  }
0x99: {  	_ = 	snop  }
0x9a: {  	[tilespmem:s11], [sflag:$0x2] =	stream.linear.gather [hbm4b:s10+s1], $0x80, $0x38;
	[tilespmem:$0x1C300] =	vst v63  }
0x9b: {  	_ = 	snop  }
0x9c: {  	[tilespmem:s13], [sflag:$0x2] =	stream.linear.gather [hbm4b:s12+s1], $0x80, $0x38;
	[tilespmem:$0x1C300] =	vst v63  }
0x9d: {  	_ =	swait.ge [sflag:s14], $0x80  }
0x9e: {  	[sflag:s14] =	ssyncset.done $0x0  }
0x9f: {  	[sflag:s14] =	ssyncadd.s32 $0xFFFFFF80  }
0xa0: {  	_ =	swait.ge [sflag:s14], $0x80  }
0xa1: {  	[sflag:s14] =	ssyncset.done $0x0  }
0xa2: {  	[sflag:s14] =	ssyncadd.s32 $0xFFFFFF80  }
0xa3: {  	_ =	swait.ge [sflag:s14], $0x80  }
0xa4: {  	[sflag:s14] =	ssyncset.done $0x0  }
0xa5: {  	[sflag:s14] =	ssyncadd.s32 $0xFFFFFF80  }
0xa6: {  	_ =	swait.ge [sflag:s14], $0x80  }
0xa7: {  	[sflag:s14] =	ssyncset.done $0x0  }
0xa8: {  	[sflag:s14] =	ssyncadd.s32 $0xFFFFFF80  }
0xa9: {  	_ =	swait.ge [sflag:s14], $0x80  }
0xaa: {  	[sflag:s14] =	ssyncset.done $0x0  }
0xab: {  	[sflag:s14] =	ssyncadd.s32 $0xFFFFFF80  }
0xac: {  	_ =	swait.ge [sflag:s14], $0x80  }
0xad: {  	[sflag:s14] =	ssyncset.done $0x0  }
0xae: {  	s2 =	rddreg [dreg:$0xe];
	[sflag:s14] =	ssyncadd.s32 $0xFFFFFF80  }
0xaf: {  	[tilespmem:s15], [sflag:$0x1] =	stream.indirect.gather [hbm4b:s2+s5], $0x80, s1, s5, $0xb8;
	[tilespmem:$0x1C300] =	vst v63  }
0xb0: {  	s3 =	rddreg [dreg:$0xf]  }
0xb1: {  	[tilespmem:s16], [sflag:$0x1] =	stream.indirect.gather [hbm4b:s3+s5], $0x80, s5, s5, $0xb8;
	[tilespmem:$0x1C300] =	vst v63  }
0xb2: {  	s2 =	rddreg [dreg:$0x10]  }
0xb3: {  	[tilespmem:s17], [sflag:$0x1] =	stream.indirect.gather [hbm4b:s2+s5], $0x80, s7, s5, $0xb8;
	[tilespmem:$0x1C300] =	vst v63  }
0xb4: {  	s3 =	rddreg [dreg:$0x11]  }
0xb5: {  	[tilespmem:s18], [sflag:$0x1] =	stream.indirect.gather [hbm4b:s3+s5], $0x80, s9, s5, $0xb8;
	[tilespmem:$0x1C300] =	vst v63  }
0xb6: {  	s2 =	rddreg [dreg:$0x12]  }
0xb7: {  	[tilespmem:s19], [sflag:$0x1] =	stream.indirect.gather [hbm4b:s2+s5], $0x80, s11, s5, $0xb8;
	[tilespmem:$0x1C300] =	vst v63  }
0xb8: {  	s3 =	rddreg [dreg:$0x13]  }
0xb9: {  	[tilespmem:s20], [sflag:$0x1] =	stream.indirect.gather [hbm4b:s3+s5], $0x80, s13, s5, $0xb8;
	[tilespmem:$0x1C300] =	vst v63  }
0xba: {  	s2 =	rddreg [dreg:$0x14]  }
0xbb: {  	[tilespmem:s21], [sflag:$0x1] =	stream.indirect.gather [hbm4b:s2+s5], $0x80, s13, s5, $0xb8;
	[tilespmem:$0x1C300] =	vst v63  }
0xbc: {  	_ =	swait.ge [sflag:s22], $0x4000  }
0xbd: {  	[sflag:s22] =	ssyncset.done $0x0  }
0xbe: {  	[sflag:s22] =	ssyncadd.s32 $0xFFFFC000  }
0xbf: {  	[hbm4b:s23+s1] =	stream.linear.scatter [tilespmem:s15], [sflag:$0x3], $0x4000, $0x38;
	[tilespmem:$0x1C300] =	vst v63  }
0xc0: {  	_ =	swait.ge [sflag:s22], $0x4000  }
0xc1: {  	[sflag:s22] =	ssyncset.done $0x0  }
0xc2: {  	[sflag:s22] =	ssyncadd.s32 $0xFFFFC000  }
0xc3: {  	[hbm4b:s24+s1] =	stream.linear.scatter [tilespmem:s16], [sflag:$0x3], $0x4000, $0x38;
	[tilespmem:$0x1C300] =	vst v63  }
0xc4: {  	_ =	swait.ge [sflag:s22], $0x4000  }
0xc5: {  	[sflag:s22] =	ssyncset.done $0x0  }
0xc6: {  	[sflag:s22] =	ssyncadd.s32 $0xFFFFC000  }
0xc7: {  	[hbm4b:s25+s1] =	stream.linear.scatter [tilespmem:s17], [sflag:$0x3], $0x4000, $0x38;
	[tilespmem:$0x1C300] =	vst v63  }
0xc8: {  	_ =	swait.ge [sflag:s22], $0x4000  }
0xc9: {  	[sflag:s22] =	ssyncset.done $0x0  }
0xca: {  	[sflag:s22] =	ssyncadd.s32 $0xFFFFC000  }
0xcb: {  	[hbm4b:s26+s1] =	stream.linear.scatter [tilespmem:s18], [sflag:$0x3], $0x4000, $0x38;
	[tilespmem:$0x1C300] =	vst v63  }
0xcc: {  	_ =	swait.ge [sflag:s22], $0x4000  }
0xcd: {  	[sflag:s22] =	ssyncset.done $0x0  }
0xce: {  	[sflag:s22] =	ssyncadd.s32 $0xFFFFC000  }
0xcf: {  	[hbm4b:s28+s1] =	stream.linear.scatter [tilespmem:s19], [sflag:$0x3], $0x4000, $0x38;
	[tilespmem:$0x1C300] =	vst v63  }
0xd0: {  	_ =	swait.ge [sflag:s22], $0x4000  }
0xd1: {  	[sflag:s22] =	ssyncset.done $0x0  }
0xd2: {  	[sflag:s22] =	ssyncadd.s32 $0xFFFFC000  }
0xd3: {  	[hbm4b:s29+s1] =	stream.linear.scatter [tilespmem:s20], [sflag:$0x3], $0x4000, $0x38;
	[tilespmem:$0x1C300] =	vst v63  }
0xd4: {  	_ =	swait.ge [sflag:s22], $0x4000  }
0xd5: {  	[sflag:s22] =	ssyncset.done $0x0  }
0xd6: {  	[sflag:s22] =	ssyncadd.s32 $0xFFFFC000  }
0xd7: {  	[hbm4b:s30+s1] =	stream.linear.scatter [tilespmem:s21], [sflag:$0x3], $0x4000, $0x38;
	[tilespmem:$0x1C300] =	vst v63  }
0xd8: {  	_ =	swait.ge [sflag:s31], $0x4000  }
0xd9: {  	[sflag:s31] =	ssyncset.done $0x0  }
0xda: {  	[sflag:s31] =	ssyncadd.s32 $0xFFFFC000  }
0xdb: {  	_ =	swait.ge [sflag:s31], $0x4000  }
0xdc: {  	[sflag:s31] =	ssyncset.done $0x0  }
0xdd: {  	[sflag:s31] =	ssyncadd.s32 $0xFFFFC000  }
0xde: {  	_ =	swait.ge [sflag:s31], $0x4000  }
0xdf: {  	[sflag:s31] =	ssyncset.done $0x0  }
0xe0: {  	[sflag:s31] =	ssyncadd.s32 $0xFFFFC000  }
0xe1: {  	_ =	swait.ge [sflag:s31], $0x4000  }
0xe2: {  	[sflag:s31] =	ssyncset.done $0x0  }
0xe3: {  	[sflag:s31] =	ssyncadd.s32 $0xFFFFC000  }
0xe4: {  	_ =	swait.ge [sflag:s31], $0x4000  }
0xe5: {  	[sflag:s31] =	ssyncset.done $0x0  }
0xe6: {  	p0 =	sne.s32 s0, $0x1;
	[sflag:s31] =	ssyncadd.s32 $0xFFFFC000  }
.Ltmp1:
0xe7: {  	_ =	swait.ge [sflag:s31], $0x4000;
	(pc) =	sbr.rel @p0 .LBB3_1-.Ltmp1, $4  }
0xe8: {  	[sflag:s31] =	ssyncset.done $0x0  }
0xe9: {  	[sflag:s31] =	ssyncadd.s32 $0xFFFFC000  }
0xea: {  	_ =	swait.ge [sflag:s31], $0x4000  }
0xeb: {  	s0 =	sadd.s32 $0xFFFFFFFF, s0;
	[sflag:s31] =	ssyncset.done $0x0  }
.LBB3_2:
0xec: {  	[sflag:s31] =	ssyncadd.s32 $0xFFFFC000  }
0xed: {  	_ =	sfence.sel $0x180000  }
0xee: {  	[bflag:$0x0] =	sbarrier.arrive $0xFFFF  }
0xef: {  	_ =	strace $0x90000047  }
0xf0: {  	s0 =	stileid.u32;
	[bflag:$0x2] =	sbarrier.arrive $0xFFFF  }
0xf1: {  	p0 =	sne.s32 s0, $0x0;
	s0 =	rddreg [dreg:$0x16]  }
0xf2: {  	s0 =	sadd.s32 @!p0 $0x100000, s0  }
0xf3: {  	[sflag:s0] =	ssyncadd.tile.s32 @!p0 $0x1;
	_ =	shalt  }
.Lfunc_end3:
_tile_overlayer_lowered:
.L_overlay_start_3:
0xf4: {  	(tag) =	ssettag $0x3  }
0xf5: {  	s0 =	rddreg [dreg:$0x0];
	s2 =	stileid.u32  }
0xf6: {  	s1 =	rddreg [dreg:$0x1];
	p0 =	sne.s32 s2, $0x0  }
0xf7: {  	s3 =	rddreg [dreg:$0x2];
	[bflag:$0x3] =	sbarrier.arrive $0xFFFF;
	s2 =	simm.s32 @!p0 $0x1C04  }
0xf8: {  	[timem:s3], [sflag:s2] =	dma.local @!p0 [hbm:s0], s1  }
0xf9: {  	s0 =	simm.s32 @!p0 $0x4  }
0xfa: {  	_ =	swait.ge @!p0 [sflag:s0], s1  }
0xfb: {  	s1 =	ssub.s32 @!p0 $0x0, s1;
	[sflag:s0] =	ssyncset.done @!p0 $0x0  }
0xfc: {  	[sflag:s0] =	ssyncadd.s32 @!p0 s1  }
0xfd: {  	[bflag:$0x3] =	sbarrier.arrive $0xFFFF  }
0xfe: {  	_ =	shalt  }

</sc_bundles>
